<compile_context>
chip_gen: v7x
topology: tpu7x:2x2x1
jax: 0.10.2.dev20260603
libtpu: 0.0.44.dev20260713+nightly
codegen_flags: <defaults>
</compile_context>

<pallas_src>
import functools

import jax
import jax.numpy as jnp
from jax import lax
from jax.experimental import pallas as pl
from jax.experimental.pallas import tpu as pltpu
from jax.experimental.pallas import tpu_sc as plsc

N = 10000
E = 320000
FT = 128
HID = 128
NS = 16
CK = 128
NCHT = E // CK
CPS = NCHT // NS
XTRA = NCHT - CPS * NS
DR = 3
DI = 6
UN = 6
TRIP = (CPS + 1 + 2 + UN - 1) // UN
RPS = 624
TAIL = N - NS * RPS


def _mm_body(s1_ref, s2_ref, w_ref, o_ref):
    o_ref[0] = jnp.dot(s1_ref[0], w_ref[...], preferred_element_type=jnp.float32)
    o_ref[1] = jnp.dot(s2_ref[0], w_ref[...], preferred_element_type=jnp.float32)


def _mm(seq1, seq2, W):
    BR = 2000
    return pl.pallas_call(
        _mm_body,
        grid=(N // BR,),
        in_specs=[pl.BlockSpec((1, BR, FT), lambda i: (0, i, 0)),
                  pl.BlockSpec((1, BR, FT), lambda i: (0, i, 0)),
                  pl.BlockSpec((FT, HID), lambda i: (0, 0))],
        out_specs=pl.BlockSpec((2, BR, HID), lambda i: (0, i, 0)),
        out_shape=jax.ShapeDtypeStruct((2, N, HID), jnp.float32),
    )(seq1, seq2, W)


def _sc_agg(fts2, adj2, zrows):

    @functools.partial(
        pl.kernel,
        out_type=jax.ShapeDtypeStruct((2 * N, HID), jnp.float32),
        mesh=plsc.VectorSubcoreMesh(core_axis_name="c", subcore_axis_name="s"),
        scratch_types=(
            [pltpu.VMEM((CK,), jnp.int32) for _ in range(DI)]
            + [pltpu.VMEM((CK,), jnp.int32) for _ in range(DI)]
            + [pltpu.VMEM((CK, HID), jnp.float32) for _ in range(DR)]
            + [pltpu.SemaphoreType.DMA] * (DI + 2 * DR)
            + [pltpu.VMEM_SHARED((N, HID), jnp.float32)]
        ),
    )
    def k(fts_h, adj_h, z_h, out_h, *refs):
        src_i = refs[0:DI]
        dst_i = refs[DI:2 * DI]
        rows = refs[2 * DI:2 * DI + DR]
        sem_i = refs[2 * DI + DR:3 * DI + DR]
        sem_g = refs[3 * DI + DR:3 * DI + 2 * DR]
        sem_s = refs[3 * DI + 2 * DR:3 * DI + 3 * DR]
        acc = refs[-1]
        cid = lax.axis_index("c")
        sid = lax.axis_index("s")
        ftsg = fts_h.at[pl.ds(cid * N, N)]

        pltpu.sync_copy(z_h, acc.at[pl.ds(sid * RPS, RPS)])

        @pl.when(sid == 0)
        def _():
            pltpu.sync_copy(z_h.at[pl.ds(0, TAIL)],
                            acc.at[pl.ds(NS * RPS, TAIL)])

        plsc.subcore_barrier()

        ne = CPS + jnp.where(sid < XTRA, 1, 0)

        def chunk_id(j):
            return jnp.where(j < CPS, sid * CPS + j, NCHT - XTRA + sid)

        def idx_load(j, u):
            q = chunk_id(j)
            pltpu.async_copy(adj_h.at[pl.ds(q * CK, CK)], src_i[u], sem_i[u])
            pltpu.async_copy(adj_h.at[pl.ds(E + q * CK, CK)],
                             dst_i[u], sem_i[u])

        def idx_wait(u):
            pltpu.make_async_copy(adj_h.at[pl.ds(0, CK)],
                                  src_i[u], sem_i[u]).wait()
            pltpu.make_async_copy(adj_h.at[pl.ds(0, CK)],
                                  dst_i[u], sem_i[u]).wait()

        def g_issue(u, p):
            pltpu.async_copy(ftsg.at[src_i[u]], rows[p], sem_g[p])

        def g_wait(p):
            pltpu.make_async_copy(fts_h.at[pl.ds(0, CK)],
                                  rows[p], sem_g[p]).wait()

        def s_issue(p, u):
            pltpu.async_copy(rows[p], acc.at[dst_i[u]], sem_s[p], add=True)

        def s_wait(p):
            pltpu.make_async_copy(fts_h.at[pl.ds(0, CK)],
                                  rows[p], sem_s[p]).wait()

        for q in range(4):
            idx_load(q, q)
        for q in range(2):
            idx_wait(q)
            g_issue(q, q)

        def body(t, carry):
            j0 = t * UN
            for kk in range(UN):
                j = j0 + kk

                @pl.when(j < ne)
                def _(p=kk % DR, u=kk % DI):
                    g_wait(p)
                    s_issue(p, u)

                @pl.when((j >= 1) & (j < ne + 1))
                def _(p=(kk + 2) % DR):
                    s_wait(p)

                @pl.when(j < ne - 2)
                def _(p=(kk + 2) % DR, u=(kk + 2) % DI):
                    idx_wait(u)
                    g_issue(u, p)

                @pl.when(j < ne - 4)
                def _(u=(kk + 4) % DI):
                    idx_load(j + 4, u)

            return carry

        lax.fori_loop(0, TRIP, body, 0)
        plsc.subcore_barrier()
        pltpu.sync_copy(acc.at[pl.ds(sid * RPS, RPS)],
                        out_h.at[pl.ds(cid * N + sid * RPS, RPS)])

        @pl.when(sid == 0)
        def _():
            pltpu.sync_copy(acc.at[pl.ds(NS * RPS, TAIL)],
                            out_h.at[pl.ds(cid * N + NS * RPS, TAIL)])

    return k(fts2, adj2, zrows)


def _post_body(agg_ref, b_ref, a_ref, m_ref, sb_ref, h_ref, ret_ref, cm_ref):
    g = pl.program_id(0)
    x = agg_ref[0] + b_ref[...]
    a = a_ref[0, 0]
    h = jnp.where(x > 0.0, x, a * x)

    @pl.when(g == 0)
    def _():
        h_ref[0] = h
        c = jax.nn.sigmoid(jnp.sum(h, axis=0, keepdims=True) * (1.0 / N))
        cm_ref[...] = jnp.dot(c, m_ref[...], preferred_element_type=jnp.float32)

    s = lax.dot_general(cm_ref[...], h, (((1,), (1,)), ((), ())),
                        precision=lax.Precision.HIGHEST,
                        preferred_element_type=jnp.float32)
    ret_ref[...] = s[None] + sb_ref[...]


def _post(agg, b2, a2, M, sb):
    return pl.pallas_call(
        _post_body,
        grid=(2,),
        in_specs=[pl.BlockSpec((1, N, HID), lambda g: (g, 0, 0)),
                  pl.BlockSpec((1, HID), lambda g: (0, 0)),
                  pl.BlockSpec((1, 1), lambda g: (0, 0)),
                  pl.BlockSpec((HID, HID), lambda g: (0, 0)),
                  pl.BlockSpec((1, 1, N), lambda g: (g, 0, 0))],
        out_specs=[pl.BlockSpec((1, N, HID), lambda g: (0, 0, 0)),
                   pl.BlockSpec((1, 1, N), lambda g: (g, 0, 0))],
        out_shape=[jax.ShapeDtypeStruct((1, N, HID), jnp.float32),
                   jax.ShapeDtypeStruct((2, 1, N), jnp.float32)],
        scratch_shapes=[pltpu.VMEM((1, HID), jnp.float32)],
    )(agg, b2, a2, M, sb)


def kernel(seq1, seq2, adj, sparse, msk, samp_bias1, samp_bias2, W, b_gcn,
           prelu_a, M, disc_bias):
    fts2 = _mm(seq1, seq2, W).reshape(2 * N, HID)
    zrows = jnp.zeros((RPS, HID), jnp.float32)
    agg = _sc_agg(fts2, adj.reshape(2 * E), zrows).reshape(2, N, HID)
    b2 = b_gcn.reshape(1, HID)
    a2 = prelu_a.reshape(1, 1)
    sb = (jnp.stack([samp_bias1[0], samp_bias2[0]])
          .reshape(2, 1, N) + disc_bias)
    h1, ret2 = _post(agg, b2, a2, M, sb)
    ret = ret2.reshape(1, 2 * N)
    return (ret, h1)

# --- scband reference (transcript-rebuilt; emitter-appended) ---
"""Pipeline reference for scband-dgi-66073776882336 (READ-ONLY COPY).

The authoritative reference and input builder live on the scoring server;
editing this copy changes nothing except your own understanding.
"""

import jax, jax.numpy as jnp
import numpy as np

N = 10000
E = 320000
FT = 128
HID = 128


def setup_inputs(seed: int = 0) -> dict:
    key = jax.random.key(seed)
    ks = jax.random.split(key, 8)
    seq1 = jax.random.normal(ks[0], (1, N, FT), dtype=jnp.float32)
    perm = jax.random.permutation(ks[1], N)
    seq2 = seq1[:, perm, :]  # DGI corruption: row-shuffled features
    adj = jax.random.randint(ks[2], (2, E), 0, N, dtype=jnp.int32)  # edge_index (src, dst)
    msk = jnp.ones((1, N), dtype=jnp.float32)
    samp_bias1 = jnp.zeros((1, N), dtype=jnp.float32)
    samp_bias2 = jnp.zeros((1, N), dtype=jnp.float32)
    W = jax.random.normal(ks[3], (FT, HID), dtype=jnp.float32) * (1.0 / np.sqrt(FT))
    b_gcn = jnp.zeros((HID,), dtype=jnp.float32)
    prelu_a = jnp.full((1,), 0.25, dtype=jnp.float32)
    M = jax.random.normal(ks[4], (HID, HID), dtype=jnp.float32) * (1.0 / np.sqrt(HID))
    disc_bias = jnp.zeros((), dtype=jnp.float32)
    return {"seq1": seq1, "seq2": seq2, "adj": adj, "sparse": 1, "msk": msk,
            "samp_bias1": samp_bias1, "samp_bias2": samp_bias2,
            "W": W, "b_gcn": b_gcn, "prelu_a": prelu_a, "M": M, "disc_bias": disc_bias}


def reference(seq1, seq2, adj, sparse, msk, samp_bias1, samp_bias2, W, b_gcn, prelu_a, M, disc_bias):
    src = adj[0]
    dst = adj[1]

    def gcn(seq):
        fts = jnp.einsum('bnf,fh->bnh', seq, W)          # dense projection
        msg = jnp.take(fts[0], src, axis=0)              # gather over edges
        agg = jax.ops.segment_sum(msg, dst, num_segments=N)  # scatter-add spmm
        h = agg[None, :, :] + b_gcn
        return jnp.where(h > 0, h, prelu_a * h)          # PReLU

    h_1 = gcn(seq1)
    c = jnp.mean(h_1, axis=1)                            # readout_func = mean over nodes
    c = jax.nn.sigmoid(c)                                # readout_act_func = sigmoid
    h_2 = gcn(seq2)
    cM = c @ M                                           # bilinear discriminator f_k(h, c)
    sc_1 = jnp.sum(h_1 * cM[:, None, :], axis=-1) + disc_bias + samp_bias1
    sc_2 = jnp.sum(h_2 * cM[:, None, :], axis=-1) + disc_bias + samp_bias2
    ret = jnp.concatenate([sc_1, sc_2], axis=1)          # [1, 2N] logits
    return (ret, h_1)

if __name__ == "__main__":
    import jax
    _d = setup_inputs()
    print(jax.jit(kernel)(*tuple(_d.values())))

</pallas_src>

<mosaic_0001>
#map = affine_map<(d0, d1) -> (0, 0)>
#map1 = affine_map<(d0, d1) -> (0)>
module attributes {stable_mosaic.version = 14 : i64} {
  func.func @k(%arg0: i32, %arg1: i32, %arg2: memref<20000x128xf32, #tpu.memory_space<hbm>>, %arg3: memref<640000xi32, #tpu.memory_space<hbm>>, %arg4: memref<624x128xf32, #tpu.memory_space<hbm>>, %arg5: memref<20000x128xf32, #tpu.memory_space<hbm>>, %arg6: memref<128xi32, #tpu.memory_space<vmem>>, %arg7: memref<128xi32, #tpu.memory_space<vmem>>, %arg8: memref<128xi32, #tpu.memory_space<vmem>>, %arg9: memref<128xi32, #tpu.memory_space<vmem>>, %arg10: memref<128xi32, #tpu.memory_space<vmem>>, %arg11: memref<128xi32, #tpu.memory_space<vmem>>, %arg12: memref<128xi32, #tpu.memory_space<vmem>>, %arg13: memref<128xi32, #tpu.memory_space<vmem>>, %arg14: memref<128xi32, #tpu.memory_space<vmem>>, %arg15: memref<128xi32, #tpu.memory_space<vmem>>, %arg16: memref<128xi32, #tpu.memory_space<vmem>>, %arg17: memref<128xi32, #tpu.memory_space<vmem>>, %arg18: memref<128x128xf32, #tpu.memory_space<vmem>>, %arg19: memref<128x128xf32, #tpu.memory_space<vmem>>, %arg20: memref<128x128xf32, #tpu.memory_space<vmem>>, %arg21: memref<!tpu.dma_semaphore, #tpu.memory_space<semaphore_mem>>, %arg22: memref<!tpu.dma_semaphore, #tpu.memory_space<semaphore_mem>>, %arg23: memref<!tpu.dma_semaphore, #tpu.memory_space<semaphore_mem>>, %arg24: memref<!tpu.dma_semaphore, #tpu.memory_space<semaphore_mem>>, %arg25: memref<!tpu.dma_semaphore, #tpu.memory_space<semaphore_mem>>, %arg26: memref<!tpu.dma_semaphore, #tpu.memory_space<semaphore_mem>>, %arg27: memref<!tpu.dma_semaphore, #tpu.memory_space<semaphore_mem>>, %arg28: memref<!tpu.dma_semaphore, #tpu.memory_space<semaphore_mem>>, %arg29: memref<!tpu.dma_semaphore, #tpu.memory_space<semaphore_mem>>, %arg30: memref<!tpu.dma_semaphore, #tpu.memory_space<semaphore_mem>>, %arg31: memref<!tpu.dma_semaphore, #tpu.memory_space<semaphore_mem>>, %arg32: memref<!tpu.dma_semaphore, #tpu.memory_space<semaphore_mem>>, %arg33: memref<10000x128xf32, #tpu.memory_space<vmem_shared>>) attributes {dimension_semantics = [#tpu.dimension_semantics<core_parallel>, #tpu.dimension_semantics<subcore_parallel>], iteration_bounds = array<i64: 2, 16>, scalar_prefetch = 0 : i64, scratch_operands = 28 : i64, tpu.core_type = #tpu.core_type<sc_vector_subcore>, window_params = [{transform_indices = #map}, {transform_indices = #map1}, {transform_indices = #map}, {transform_indices = #map}]} {
    %mul3A = arith.constant 10000 : i32
    %mul3A_0 = arith.muli %arg0, %mul3A : i32
    %mul3A_1 = arith.constant 624 : i32
    %mul3A_2 = arith.muli %arg1, %mul3A_1 : i32
    "tpu.region"() ({
      %run_scoped3A = tpu.sem_alloc : memref<!tpu.dma_semaphore, #tpu.memory_space<semaphore_mem>>
      %dma_start3A_122 = arith.constant 0 : i32
      %dma_start3A_123 = tpu.memref_slice %arg33[%mul3A_2, %dma_start3A_122] : memref<10000x128xf32, #tpu.memory_space<vmem_shared>> -> memref<624x128xf32, #tpu.memory_space<vmem_shared>>
      tpu.enqueue_dma source(%arg4 : memref<624x128xf32, #tpu.memory_space<hbm>>) target(%dma_start3A_123 : memref<624x128xf32, #tpu.memory_space<vmem_shared>>) target_semaphore(%run_scoped3A : memref<!tpu.dma_semaphore, #tpu.memory_space<semaphore_mem>>)
      %dma_wait3A_124 = arith.constant 0 : i32
      %dma_wait3A_125 = tpu.memref_slice %arg33[%mul3A_2, %dma_wait3A_124] : memref<10000x128xf32, #tpu.memory_space<vmem_shared>> -> memref<624x128xf32, #tpu.memory_space<vmem_shared>>
      tpu.wait_dma2 semaphore(%run_scoped3A : memref<!tpu.dma_semaphore, #tpu.memory_space<semaphore_mem>>) src(%arg4 : memref<624x128xf32, #tpu.memory_space<hbm>>) dst(%dma_wait3A_125 : memref<624x128xf32, #tpu.memory_space<vmem_shared>>)
      tpu.yield
    }) : () -> ()
    %eq3A = arith.constant 0 : i32
    %eq3A_3 = arith.cmpi eq, %arg1, %eq3A : i32
    %convert_element_type3A = arith.extui %eq3A_3 : i1 to i32
    %cond3A = arith.constant 0 : i32
    %cond3A_4 = arith.cmpi ne, %convert_element_type3A, %cond3A : i32
    scf.if %cond3A_4 {
      "tpu.region"() ({
        %run_scoped3A = tpu.sem_alloc : memref<!tpu.dma_semaphore, #tpu.memory_space<semaphore_mem>>
        %dma_start3A_122 = arith.constant 9984 : i32
        %dma_start3A_123 = arith.constant 0 : i32
        %dma_start3A_124 = tpu.memref_slice %arg33[%dma_start3A_122, %dma_start3A_123] : memref<10000x128xf32, #tpu.memory_space<vmem_shared>> -> memref<16x128xf32, #tpu.memory_space<vmem_shared>>
        %dma_start3A_125 = arith.constant 0 : i32
        %dma_start3A_126 = arith.constant 0 : i32
        %dma_start3A_127 = tpu.memref_slice %arg4[%dma_start3A_125, %dma_start3A_126] : memref<624x128xf32, #tpu.memory_space<hbm>> -> memref<16x128xf32, #tpu.memory_space<hbm>>
        tpu.enqueue_dma source(%dma_start3A_127 : memref<16x128xf32, #tpu.memory_space<hbm>>) target(%dma_start3A_124 : memref<16x128xf32, #tpu.memory_space<vmem_shared>>) target_semaphore(%run_scoped3A : memref<!tpu.dma_semaphore, #tpu.memory_space<semaphore_mem>>)
        %dma_wait3A_128 = arith.constant 9984 : i32
        %dma_wait3A_129 = arith.constant 0 : i32
        %dma_wait3A_130 = tpu.memref_slice %arg33[%dma_wait3A_128, %dma_wait3A_129] : memref<10000x128xf32, #tpu.memory_space<vmem_shared>> -> memref<16x128xf32, #tpu.memory_space<vmem_shared>>
        %dma_wait3A_131 = arith.constant 0 : i32
        %dma_wait3A_132 = arith.constant 0 : i32
        %dma_wait3A_133 = tpu.memref_slice %arg4[%dma_wait3A_131, %dma_wait3A_132] : memref<624x128xf32, #tpu.memory_space<hbm>> -> memref<16x128xf32, #tpu.memory_space<hbm>>
        tpu.wait_dma2 semaphore(%run_scoped3A : memref<!tpu.dma_semaphore, #tpu.memory_space<semaphore_mem>>) src(%dma_wait3A_133 : memref<16x128xf32, #tpu.memory_space<hbm>>) dst(%dma_wait3A_130 : memref<16x128xf32, #tpu.memory_space<vmem_shared>>)
        tpu.yield
      }) : () -> ()
    } else {
    }
    %barrier3A = arith.constant 0 : index
    tpu.barrier barrier_id(%barrier3A)
    %lt3A = arith.constant 4 : i32
    %lt3A_5 = arith.cmpi slt, %arg1, %lt3A : i32
    %jit3A = arith.constant 1 : i32
    %jit3A_6 = arith.constant 0 : i32
    %select_n3A = arith.select %lt3A_5, %jit3A, %jit3A_6 : i32
    %add3A = arith.constant 156 : i32
    %add3A_7 = arith.addi %add3A, %select_n3A : i32
    %mul3A_8 = arith.constant 156 : i32
    %mul3A_9 = arith.muli %arg1, %mul3A_8 : i32
    %add3A_10 = arith.constant 0 : i32
    %add3A_11 = arith.addi %mul3A_9, %add3A_10 : i32
    %add3A_12 = arith.constant 2496 : i32
    %add3A_13 = arith.addi %add3A_12, %arg1 : i32
    %jit3A_14 = arith.constant true
    %select_n3A_15 = arith.select %jit3A_14, %add3A_11, %add3A_13 : i32
    %mul3A_16 = arith.constant 128 : i32
    %mul3A_17 = arith.muli %select_n3A_15, %mul3A_16 : i32
    %dma_start3A = tpu.memref_slice %arg3[%mul3A_17] : memref<640000xi32, #tpu.memory_space<hbm>> -> memref<128xi32, #tpu.memory_space<hbm>>
    %dma_start3A_18 = tpu.memref_slice %arg3[%mul3A_17] : memref<640000xi32, #tpu.memory_space<hbm>> -> memref<128xi32, #tpu.memory_space<hbm>>
    tpu.enqueue_dma source(%dma_start3A_18 : memref<128xi32, #tpu.memory_space<hbm>>) target(%arg6 : memref<128xi32, #tpu.memory_space<vmem>>) target_semaphore(%arg21 : memref<!tpu.dma_semaphore, #tpu.memory_space<semaphore_mem>>)
    %mul3A_19 = arith.constant 128 : i32
    %mul3A_20 = arith.muli %select_n3A_15, %mul3A_19 : i32
    %add3A_21 = arith.constant 320000 : i32
    %add3A_22 = arith.addi %add3A_21, %mul3A_20 : i32
    %dma_start3A_23 = tpu.memref_slice %arg3[%add3A_22] : memref<640000xi32, #tpu.memory_space<hbm>> -> memref<128xi32, #tpu.memory_space<hbm>>
    %dma_start3A_24 = tpu.memref_slice %arg3[%add3A_22] : memref<640000xi32, #tpu.memory_space<hbm>> -> memref<128xi32, #tpu.memory_space<hbm>>
    tpu.enqueue_dma source(%dma_start3A_24 : memref<128xi32, #tpu.memory_space<hbm>>) target(%arg12 : memref<128xi32, #tpu.memory_space<vmem>>) target_semaphore(%arg21 : memref<!tpu.dma_semaphore, #tpu.memory_space<semaphore_mem>>)
    %mul3A_25 = arith.constant 156 : i32
    %mul3A_26 = arith.muli %arg1, %mul3A_25 : i32
    %add3A_27 = arith.constant 1 : i32
    %add3A_28 = arith.addi %mul3A_26, %add3A_27 : i32
    %add3A_29 = arith.constant 2496 : i32
    %add3A_30 = arith.addi %add3A_29, %arg1 : i32
    %jit3A_31 = arith.constant true
    %select_n3A_32 = arith.select %jit3A_31, %add3A_28, %add3A_30 : i32
    %mul3A_33 = arith.constant 128 : i32
    %mul3A_34 = arith.muli %select_n3A_32, %mul3A_33 : i32
    %dma_start3A_35 = tpu.memref_slice %arg3[%mul3A_34] : memref<640000xi32, #tpu.memory_space<hbm>> -> memref<128xi32, #tpu.memory_space<hbm>>
    %dma_start3A_36 = tpu.memref_slice %arg3[%mul3A_34] : memref<640000xi32, #tpu.memory_space<hbm>> -> memref<128xi32, #tpu.memory_space<hbm>>
    tpu.enqueue_dma source(%dma_start3A_36 : memref<128xi32, #tpu.memory_space<hbm>>) target(%arg7 : memref<128xi32, #tpu.memory_space<vmem>>) target_semaphore(%arg22 : memref<!tpu.dma_semaphore, #tpu.memory_space<semaphore_mem>>)
    %mul3A_37 = arith.constant 128 : i32
    %mul3A_38 = arith.muli %select_n3A_32, %mul3A_37 : i32
    %add3A_39 = arith.constant 320000 : i32
    %add3A_40 = arith.addi %add3A_39, %mul3A_38 : i32
    %dma_start3A_41 = tpu.memref_slice %arg3[%add3A_40] : memref<640000xi32, #tpu.memory_space<hbm>> -> memref<128xi32, #tpu.memory_space<hbm>>
    %dma_start3A_42 = tpu.memref_slice %arg3[%add3A_40] : memref<640000xi32, #tpu.memory_space<hbm>> -> memref<128xi32, #tpu.memory_space<hbm>>
    tpu.enqueue_dma source(%dma_start3A_42 : memref<128xi32, #tpu.memory_space<hbm>>) target(%arg13 : memref<128xi32, #tpu.memory_space<vmem>>) target_semaphore(%arg22 : memref<!tpu.dma_semaphore, #tpu.memory_space<semaphore_mem>>)
    %mul3A_43 = arith.constant 156 : i32
    %mul3A_44 = arith.muli %arg1, %mul3A_43 : i32
    %add3A_45 = arith.constant 2 : i32
    %add3A_46 = arith.addi %mul3A_44, %add3A_45 : i32
    %add3A_47 = arith.constant 2496 : i32
    %add3A_48 = arith.addi %add3A_47, %arg1 : i32
    %jit3A_49 = arith.constant true
    %select_n3A_50 = arith.select %jit3A_49, %add3A_46, %add3A_48 : i32
    %mul3A_51 = arith.constant 128 : i32
    %mul3A_52 = arith.muli %select_n3A_50, %mul3A_51 : i32
    %dma_start3A_53 = tpu.memref_slice %arg3[%mul3A_52] : memref<640000xi32, #tpu.memory_space<hbm>> -> memref<128xi32, #tpu.memory_space<hbm>>
    %dma_start3A_54 = tpu.memref_slice %arg3[%mul3A_52] : memref<640000xi32, #tpu.memory_space<hbm>> -> memref<128xi32, #tpu.memory_space<hbm>>
    tpu.enqueue_dma source(%dma_start3A_54 : memref<128xi32, #tpu.memory_space<hbm>>) target(%arg8 : memref<128xi32, #tpu.memory_space<vmem>>) target_semaphore(%arg23 : memref<!tpu.dma_semaphore, #tpu.memory_space<semaphore_mem>>)
    %mul3A_55 = arith.constant 128 : i32
    %mul3A_56 = arith.muli %select_n3A_50, %mul3A_55 : i32
    %add3A_57 = arith.constant 320000 : i32
    %add3A_58 = arith.addi %add3A_57, %mul3A_56 : i32
    %dma_start3A_59 = tpu.memref_slice %arg3[%add3A_58] : memref<640000xi32, #tpu.memory_space<hbm>> -> memref<128xi32, #tpu.memory_space<hbm>>
    %dma_start3A_60 = tpu.memref_slice %arg3[%add3A_58] : memref<640000xi32, #tpu.memory_space<hbm>> -> memref<128xi32, #tpu.memory_space<hbm>>
    tpu.enqueue_dma source(%dma_start3A_60 : memref<128xi32, #tpu.memory_space<hbm>>) target(%arg14 : memref<128xi32, #tpu.memory_space<vmem>>) target_semaphore(%arg23 : memref<!tpu.dma_semaphore, #tpu.memory_space<semaphore_mem>>)
    %mul3A_61 = arith.constant 156 : i32
    %mul3A_62 = arith.muli %arg1, %mul3A_61 : i32
    %add3A_63 = arith.constant 3 : i32
    %add3A_64 = arith.addi %mul3A_62, %add3A_63 : i32
    %add3A_65 = arith.constant 2496 : i32
    %add3A_66 = arith.addi %add3A_65, %arg1 : i32
    %jit3A_67 = arith.constant true
    %select_n3A_68 = arith.select %jit3A_67, %add3A_64, %add3A_66 : i32
    %mul3A_69 = arith.constant 128 : i32
    %mul3A_70 = arith.muli %select_n3A_68, %mul3A_69 : i32
    %dma_start3A_71 = tpu.memref_slice %arg3[%mul3A_70] : memref<640000xi32, #tpu.memory_space<hbm>> -> memref<128xi32, #tpu.memory_space<hbm>>
    %dma_start3A_72 = tpu.memref_slice %arg3[%mul3A_70] : memref<640000xi32, #tpu.memory_space<hbm>> -> memref<128xi32, #tpu.memory_space<hbm>>
    tpu.enqueue_dma source(%dma_start3A_72 : memref<128xi32, #tpu.memory_space<hbm>>) target(%arg9 : memref<128xi32, #tpu.memory_space<vmem>>) target_semaphore(%arg24 : memref<!tpu.dma_semaphore, #tpu.memory_space<semaphore_mem>>)
    %mul3A_73 = arith.constant 128 : i32
    %mul3A_74 = arith.muli %select_n3A_68, %mul3A_73 : i32
    %add3A_75 = arith.constant 320000 : i32
    %add3A_76 = arith.addi %add3A_75, %mul3A_74 : i32
    %dma_start3A_77 = tpu.memref_slice %arg3[%add3A_76] : memref<640000xi32, #tpu.memory_space<hbm>> -> memref<128xi32, #tpu.memory_space<hbm>>
    %dma_start3A_78 = tpu.memref_slice %arg3[%add3A_76] : memref<640000xi32, #tpu.memory_space<hbm>> -> memref<128xi32, #tpu.memory_space<hbm>>
    tpu.enqueue_dma source(%dma_start3A_78 : memref<128xi32, #tpu.memory_space<hbm>>) target(%arg15 : memref<128xi32, #tpu.memory_space<vmem>>) target_semaphore(%arg24 : memref<!tpu.dma_semaphore, #tpu.memory_space<semaphore_mem>>)
    %dma_wait3A = arith.constant 0 : i32
    %dma_wait3A_79 = tpu.memref_slice %arg3[%dma_wait3A] : memref<640000xi32, #tpu.memory_space<hbm>> -> memref<128xi32, #tpu.memory_space<hbm>>
    %dma_wait3A_80 = arith.constant 0 : i32
    %dma_wait3A_81 = tpu.memref_slice %arg3[%dma_wait3A_80] : memref<640000xi32, #tpu.memory_space<hbm>> -> memref<128xi32, #tpu.memory_space<hbm>>
    tpu.wait_dma2 semaphore(%arg21 : memref<!tpu.dma_semaphore, #tpu.memory_space<semaphore_mem>>) src(%dma_wait3A_81 : memref<128xi32, #tpu.memory_space<hbm>>) dst(%arg6 : memref<128xi32, #tpu.memory_space<vmem>>)
    %dma_wait3A_82 = arith.constant 0 : i32
    %dma_wait3A_83 = tpu.memref_slice %arg3[%dma_wait3A_82] : memref<640000xi32, #tpu.memory_space<hbm>> -> memref<128xi32, #tpu.memory_space<hbm>>
    %dma_wait3A_84 = arith.constant 0 : i32
    %dma_wait3A_85 = tpu.memref_slice %arg3[%dma_wait3A_84] : memref<640000xi32, #tpu.memory_space<hbm>> -> memref<128xi32, #tpu.memory_space<hbm>>
    tpu.wait_dma2 semaphore(%arg21 : memref<!tpu.dma_semaphore, #tpu.memory_space<semaphore_mem>>) src(%dma_wait3A_85 : memref<128xi32, #tpu.memory_space<hbm>>) dst(%arg12 : memref<128xi32, #tpu.memory_space<vmem>>)
    %dma_start3A_86 = arith.constant 0 : i32
    %dma_start3A_87 = tpu.memref_slice %arg2[%mul3A_0, %dma_start3A_86] : memref<20000x128xf32, #tpu.memory_space<hbm>> -> memref<10000x128xf32, #tpu.memory_space<hbm>>
    %dma_start3A_88 = arith.constant 0 : i32
    %dma_start3A_89 = arith.constant 0 : i32
    %dma_start3A_90 = tpu.memref_slice %dma_start3A_87[%dma_start3A_88, %dma_start3A_89] : memref<10000x128xf32, #tpu.memory_space<hbm>> -> memref<10000x128xf32, #tpu.memory_space<hbm>>
    tpu.enqueue_indirect_dma source(%dma_start3A_90 : memref<10000x128xf32, #tpu.memory_space<hbm>>) target(%arg18 : memref<128x128xf32, #tpu.memory_space<vmem>>) offsets(%arg6 : memref<128xi32, #tpu.memory_space<vmem>>) semaphore(%arg27 : memref<!tpu.dma_semaphore, #tpu.memory_space<semaphore_mem>>)
    %dma_wait3A_91 = arith.constant 0 : i32
    %dma_wait3A_92 = tpu.memref_slice %arg3[%dma_wait3A_91] : memref<640000xi32, #tpu.memory_space<hbm>> -> memref<128xi32, #tpu.memory_space<hbm>>
    %dma_wait3A_93 = arith.constant 0 : i32
    %dma_wait3A_94 = tpu.memref_slice %arg3[%dma_wait3A_93] : memref<640000xi32, #tpu.memory_space<hbm>> -> memref<128xi32, #tpu.memory_space<hbm>>
    tpu.wait_dma2 semaphore(%arg22 : memref<!tpu.dma_semaphore, #tpu.memory_space<semaphore_mem>>) src(%dma_wait3A_94 : memref<128xi32, #tpu.memory_space<hbm>>) dst(%arg7 : memref<128xi32, #tpu.memory_space<vmem>>)
    %dma_wait3A_95 = arith.constant 0 : i32
    %dma_wait3A_96 = tpu.memref_slice %arg3[%dma_wait3A_95] : memref<640000xi32, #tpu.memory_space<hbm>> -> memref<128xi32, #tpu.memory_space<hbm>>
    %dma_wait3A_97 = arith.constant 0 : i32
    %dma_wait3A_98 = tpu.memref_slice %arg3[%dma_wait3A_97] : memref<640000xi32, #tpu.memory_space<hbm>> -> memref<128xi32, #tpu.memory_space<hbm>>
    tpu.wait_dma2 semaphore(%arg22 : memref<!tpu.dma_semaphore, #tpu.memory_space<semaphore_mem>>) src(%dma_wait3A_98 : memref<128xi32, #tpu.memory_space<hbm>>) dst(%arg13 : memref<128xi32, #tpu.memory_space<vmem>>)
    %dma_start3A_99 = arith.constant 0 : i32
    %dma_start3A_100 = tpu.memref_slice %arg2[%mul3A_0, %dma_start3A_99] : memref<20000x128xf32, #tpu.memory_space<hbm>> -> memref<10000x128xf32, #tpu.memory_space<hbm>>
    %dma_start3A_101 = arith.constant 0 : i32
    %dma_start3A_102 = arith.constant 0 : i32
    %dma_start3A_103 = tpu.memref_slice %dma_start3A_100[%dma_start3A_101, %dma_start3A_102] : memref<10000x128xf32, #tpu.memory_space<hbm>> -> memref<10000x128xf32, #tpu.memory_space<hbm>>
    tpu.enqueue_indirect_dma source(%dma_start3A_103 : memref<10000x128xf32, #tpu.memory_space<hbm>>) target(%arg19 : memref<128x128xf32, #tpu.memory_space<vmem>>) offsets(%arg7 : memref<128xi32, #tpu.memory_space<vmem>>) semaphore(%arg28 : memref<!tpu.dma_semaphore, #tpu.memory_space<semaphore_mem>>)
    %scan3A = arith.constant 0 : i32
    %scan3A_104 = arith.constant 0 : i32
    %scan3A_105 = arith.constant 27 : i32
    %scan3A_106 = arith.addi %scan3A_104, %scan3A_105 : i32
    %scan3A_107 = arith.constant 1 : i32
    scf.for %scan3A_122 = %scan3A_104 to %scan3A_106 step %scan3A_107  : i32 {
      %mul3A_123 = arith.constant 6 : i32
      %mul3A_124 = arith.muli %scan3A_122, %mul3A_123 : i32
      %add3A_125 = arith.constant 0 : i32
      %add3A_126 = arith.addi %mul3A_124, %add3A_125 : i32
      %lt3A_127 = arith.cmpi slt, %add3A_126, %add3A_7 : i32
      %convert_element_type3A_128 = arith.extui %lt3A_127 : i1 to i32
      %cond3A_129 = arith.constant 0 : i32
      %cond3A_130 = arith.cmpi ne, %convert_element_type3A_128, %cond3A_129 : i32
      scf.if %cond3A_130 {
        %dma_wait3A_284 = arith.constant 0 : i32
        %dma_wait3A_285 = arith.constant 0 : i32
        %dma_wait3A_286 = tpu.memref_slice %arg2[%dma_wait3A_284, %dma_wait3A_285] : memref<20000x128xf32, #tpu.memory_space<hbm>> -> memref<128x128xf32, #tpu.memory_space<hbm>>
        %dma_wait3A_287 = arith.constant 0 : i32
        %dma_wait3A_288 = arith.constant 0 : i32
        %dma_wait3A_289 = tpu.memref_slice %arg2[%dma_wait3A_287, %dma_wait3A_288] : memref<20000x128xf32, #tpu.memory_space<hbm>> -> memref<128x128xf32, #tpu.memory_space<hbm>>
        tpu.wait_dma2 semaphore(%arg27 : memref<!tpu.dma_semaphore, #tpu.memory_space<semaphore_mem>>) src(%dma_wait3A_289 : memref<128x128xf32, #tpu.memory_space<hbm>>) dst(%arg18 : memref<128x128xf32, #tpu.memory_space<vmem>>)
        %dma_start3A_290 = arith.constant 0 : i32
        %dma_start3A_291 = arith.constant 0 : i32
        %dma_start3A_292 = tpu.memref_slice %arg33[%dma_start3A_290, %dma_start3A_291] : memref<10000x128xf32, #tpu.memory_space<vmem_shared>> -> memref<10000x128xf32, #tpu.memory_space<vmem_shared>>
        tpu.enqueue_indirect_dma source(%arg18 : memref<128x128xf32, #tpu.memory_space<vmem>>) target(%dma_start3A_292 : memref<10000x128xf32, #tpu.memory_space<vmem_shared>>) offsets(%arg12 : memref<128xi32, #tpu.memory_space<vmem>>) semaphore(%arg30 : memref<!tpu.dma_semaphore, #tpu.memory_space<semaphore_mem>>) {add = true}
      } else {
      }
      %ge3A = arith.constant 1 : i32
      %ge3A_131 = arith.cmpi sge, %add3A_126, %ge3A : i32
      %add3A_132 = arith.constant 1 : i32
      %add3A_133 = arith.addi %add3A_7, %add3A_132 : i32
      %lt3A_134 = arith.cmpi slt, %add3A_126, %add3A_133 : i32
      %and3A = arith.andi %ge3A_131, %lt3A_134 : i1
      %convert_element_type3A_135 = arith.extui %and3A : i1 to i32
      %cond3A_136 = arith.constant 0 : i32
      %cond3A_137 = arith.cmpi ne, %convert_element_type3A_135, %cond3A_136 : i32
      scf.if %cond3A_137 {
        %dma_wait3A_284 = arith.constant 0 : i32
        %dma_wait3A_285 = arith.constant 0 : i32
        %dma_wait3A_286 = tpu.memref_slice %arg2[%dma_wait3A_284, %dma_wait3A_285] : memref<20000x128xf32, #tpu.memory_space<hbm>> -> memref<128x128xf32, #tpu.memory_space<hbm>>
        %dma_wait3A_287 = arith.constant 0 : i32
        %dma_wait3A_288 = arith.constant 0 : i32
        %dma_wait3A_289 = tpu.memref_slice %arg2[%dma_wait3A_287, %dma_wait3A_288] : memref<20000x128xf32, #tpu.memory_space<hbm>> -> memref<128x128xf32, #tpu.memory_space<hbm>>
        tpu.wait_dma2 semaphore(%arg32 : memref<!tpu.dma_semaphore, #tpu.memory_space<semaphore_mem>>) src(%dma_wait3A_289 : memref<128x128xf32, #tpu.memory_space<hbm>>) dst(%arg20 : memref<128x128xf32, #tpu.memory_space<vmem>>)
      } else {
      }
      %sub3A = arith.constant 2 : i32
      %sub3A_138 = arith.subi %add3A_7, %sub3A : i32
      %lt3A_139 = arith.cmpi slt, %add3A_126, %sub3A_138 : i32
      %convert_element_type3A_140 = arith.extui %lt3A_139 : i1 to i32
      %cond3A_141 = arith.constant 0 : i32
      %cond3A_142 = arith.cmpi ne, %convert_element_type3A_140, %cond3A_141 : i32
      scf.if %cond3A_142 {
        %dma_wait3A_284 = arith.constant 0 : i32
        %dma_wait3A_285 = tpu.memref_slice %arg3[%dma_wait3A_284] : memref<640000xi32, #tpu.memory_space<hbm>> -> memref<128xi32, #tpu.memory_space<hbm>>
        %dma_wait3A_286 = arith.constant 0 : i32
        %dma_wait3A_287 = tpu.memref_slice %arg3[%dma_wait3A_286] : memref<640000xi32, #tpu.memory_space<hbm>> -> memref<128xi32, #tpu.memory_space<hbm>>
        tpu.wait_dma2 semaphore(%arg23 : memref<!tpu.dma_semaphore, #tpu.memory_space<semaphore_mem>>) src(%dma_wait3A_287 : memref<128xi32, #tpu.memory_space<hbm>>) dst(%arg8 : memref<128xi32, #tpu.memory_space<vmem>>)
        %dma_wait3A_288 = arith.constant 0 : i32
        %dma_wait3A_289 = tpu.memref_slice %arg3[%dma_wait3A_288] : memref<640000xi32, #tpu.memory_space<hbm>> -> memref<128xi32, #tpu.memory_space<hbm>>
        %dma_wait3A_290 = arith.constant 0 : i32
        %dma_wait3A_291 = tpu.memref_slice %arg3[%dma_wait3A_290] : memref<640000xi32, #tpu.memory_space<hbm>> -> memref<128xi32, #tpu.memory_space<hbm>>
        tpu.wait_dma2 semaphore(%arg23 : memref<!tpu.dma_semaphore, #tpu.memory_space<semaphore_mem>>) src(%dma_wait3A_291 : memref<128xi32, #tpu.memory_space<hbm>>) dst(%arg14 : memref<128xi32, #tpu.memory_space<vmem>>)
        %dma_start3A_292 = arith.constant 0 : i32
        %dma_start3A_293 = tpu.memref_slice %arg2[%mul3A_0, %dma_start3A_292] : memref<20000x128xf32, #tpu.memory_space<hbm>> -> memref<10000x128xf32, #tpu.memory_space<hbm>>
        %dma_start3A_294 = arith.constant 0 : i32
        %dma_start3A_295 = arith.constant 0 : i32
        %dma_start3A_296 = tpu.memref_slice %dma_start3A_293[%dma_start3A_294, %dma_start3A_295] : memref<10000x128xf32, #tpu.memory_space<hbm>> -> memref<10000x128xf32, #tpu.memory_space<hbm>>
        tpu.enqueue_indirect_dma source(%dma_start3A_296 : memref<10000x128xf32, #tpu.memory_space<hbm>>) target(%arg20 : memref<128x128xf32, #tpu.memory_space<vmem>>) offsets(%arg8 : memref<128xi32, #tpu.memory_space<vmem>>) semaphore(%arg29 : memref<!tpu.dma_semaphore, #tpu.memory_space<semaphore_mem>>)
      } else {
      }
      %sub3A_143 = arith.constant 4 : i32
      %sub3A_144 = arith.subi %add3A_7, %sub3A_143 : i32
      %lt3A_145 = arith.cmpi slt, %add3A_126, %sub3A_144 : i32
      %convert_element_type3A_146 = arith.extui %lt3A_145 : i1 to i32
      %cond3A_147 = arith.constant 0 : i32
      %cond3A_148 = arith.cmpi ne, %convert_element_type3A_146, %cond3A_147 : i32
      scf.if %cond3A_148 {
        %add3A_284 = arith.constant 4 : i32
        %add3A_285 = arith.addi %add3A_126, %add3A_284 : i32
        %lt3A_286 = arith.constant 156 : i32
        %lt3A_287 = arith.cmpi slt, %add3A_285, %lt3A_286 : i32
        %mul3A_288 = arith.constant 156 : i32
        %mul3A_289 = arith.muli %arg1, %mul3A_288 : i32
        %add3A_290 = arith.addi %mul3A_289, %add3A_285 : i32
        %add3A_291 = arith.constant 2496 : i32
        %add3A_292 = arith.addi %add3A_291, %arg1 : i32
        %select_n3A_293 = arith.select %lt3A_287, %add3A_290, %add3A_292 : i32
        %mul3A_294 = arith.constant 128 : i32
        %mul3A_295 = arith.muli %select_n3A_293, %mul3A_294 : i32
        %dma_start3A_296 = tpu.memref_slice %arg3[%mul3A_295] : memref<640000xi32, #tpu.memory_space<hbm>> -> memref<128xi32, #tpu.memory_space<hbm>>
        %dma_start3A_297 = tpu.memref_slice %arg3[%mul3A_295] : memref<640000xi32, #tpu.memory_space<hbm>> -> memref<128xi32, #tpu.memory_space<hbm>>
        tpu.enqueue_dma source(%dma_start3A_297 : memref<128xi32, #tpu.memory_space<hbm>>) target(%arg10 : memref<128xi32, #tpu.memory_space<vmem>>) target_semaphore(%arg25 : memref<!tpu.dma_semaphore, #tpu.memory_space<semaphore_mem>>)
        %mul3A_298 = arith.constant 128 : i32
        %mul3A_299 = arith.muli %select_n3A_293, %mul3A_298 : i32
        %add3A_300 = arith.constant 320000 : i32
        %add3A_301 = arith.addi %add3A_300, %mul3A_299 : i32
        %dma_start3A_302 = tpu.memref_slice %arg3[%add3A_301] : memref<640000xi32, #tpu.memory_space<hbm>> -> memref<128xi32, #tpu.memory_space<hbm>>
        %dma_start3A_303 = tpu.memref_slice %arg3[%add3A_301] : memref<640000xi32, #tpu.memory_space<hbm>> -> memref<128xi32, #tpu.memory_space<hbm>>
        tpu.enqueue_dma source(%dma_start3A_303 : memref<128xi32, #tpu.memory_space<hbm>>) target(%arg16 : memref<128xi32, #tpu.memory_space<vmem>>) target_semaphore(%arg25 : memref<!tpu.dma_semaphore, #tpu.memory_space<semaphore_mem>>)
      } else {
      }
      %add3A_149 = arith.constant 1 : i32
      %add3A_150 = arith.addi %mul3A_124, %add3A_149 : i32
      %lt3A_151 = arith.cmpi slt, %add3A_150, %add3A_7 : i32
      %convert_element_type3A_152 = arith.extui %lt3A_151 : i1 to i32
      %cond3A_153 = arith.constant 0 : i32
      %cond3A_154 = arith.cmpi ne, %convert_element_type3A_152, %cond3A_153 : i32
      scf.if %cond3A_154 {
        %dma_wait3A_284 = arith.constant 0 : i32
        %dma_wait3A_285 = arith.constant 0 : i32
        %dma_wait3A_286 = tpu.memref_slice %arg2[%dma_wait3A_284, %dma_wait3A_285] : memref<20000x128xf32, #tpu.memory_space<hbm>> -> memref<128x128xf32, #tpu.memory_space<hbm>>
        %dma_wait3A_287 = arith.constant 0 : i32
        %dma_wait3A_288 = arith.constant 0 : i32
        %dma_wait3A_289 = tpu.memref_slice %arg2[%dma_wait3A_287, %dma_wait3A_288] : memref<20000x128xf32, #tpu.memory_space<hbm>> -> memref<128x128xf32, #tpu.memory_space<hbm>>
        tpu.wait_dma2 semaphore(%arg28 : memref<!tpu.dma_semaphore, #tpu.memory_space<semaphore_mem>>) src(%dma_wait3A_289 : memref<128x128xf32, #tpu.memory_space<hbm>>) dst(%arg19 : memref<128x128xf32, #tpu.memory_space<vmem>>)
        %dma_start3A_290 = arith.constant 0 : i32
        %dma_start3A_291 = arith.constant 0 : i32
        %dma_start3A_292 = tpu.memref_slice %arg33[%dma_start3A_290, %dma_start3A_291] : memref<10000x128xf32, #tpu.memory_space<vmem_shared>> -> memref<10000x128xf32, #tpu.memory_space<vmem_shared>>
        tpu.enqueue_indirect_dma source(%arg19 : memref<128x128xf32, #tpu.memory_space<vmem>>) target(%dma_start3A_292 : memref<10000x128xf32, #tpu.memory_space<vmem_shared>>) offsets(%arg13 : memref<128xi32, #tpu.memory_space<vmem>>) semaphore(%arg31 : memref<!tpu.dma_semaphore, #tpu.memory_space<semaphore_mem>>) {add = true}
      } else {
      }
      %ge3A_155 = arith.constant 1 : i32
      %ge3A_156 = arith.cmpi sge, %add3A_150, %ge3A_155 : i32
      %add3A_157 = arith.constant 1 : i32
      %add3A_158 = arith.addi %add3A_7, %add3A_157 : i32
      %lt3A_159 = arith.cmpi slt, %add3A_150, %add3A_158 : i32
      %and3A_160 = arith.andi %ge3A_156, %lt3A_159 : i1
      %convert_element_type3A_161 = arith.extui %and3A_160 : i1 to i32
      %cond3A_162 = arith.constant 0 : i32
      %cond3A_163 = arith.cmpi ne, %convert_element_type3A_161, %cond3A_162 : i32
      scf.if %cond3A_163 {
        %dma_wait3A_284 = arith.constant 0 : i32
        %dma_wait3A_285 = arith.constant 0 : i32
        %dma_wait3A_286 = tpu.memref_slice %arg2[%dma_wait3A_284, %dma_wait3A_285] : memref<20000x128xf32, #tpu.memory_space<hbm>> -> memref<128x128xf32, #tpu.memory_space<hbm>>
        %dma_wait3A_287 = arith.constant 0 : i32
        %dma_wait3A_288 = arith.constant 0 : i32
        %dma_wait3A_289 = tpu.memref_slice %arg2[%dma_wait3A_287, %dma_wait3A_288] : memref<20000x128xf32, #tpu.memory_space<hbm>> -> memref<128x128xf32, #tpu.memory_space<hbm>>
        tpu.wait_dma2 semaphore(%arg30 : memref<!tpu.dma_semaphore, #tpu.memory_space<semaphore_mem>>) src(%dma_wait3A_289 : memref<128x128xf32, #tpu.memory_space<hbm>>) dst(%arg18 : memref<128x128xf32, #tpu.memory_space<vmem>>)
      } else {
      }
      %sub3A_164 = arith.constant 2 : i32
      %sub3A_165 = arith.subi %add3A_7, %sub3A_164 : i32
      %lt3A_166 = arith.cmpi slt, %add3A_150, %sub3A_165 : i32
      %convert_element_type3A_167 = arith.extui %lt3A_166 : i1 to i32
      %cond3A_168 = arith.constant 0 : i32
      %cond3A_169 = arith.cmpi ne, %convert_element_type3A_167, %cond3A_168 : i32
      scf.if %cond3A_169 {
        %dma_wait3A_284 = arith.constant 0 : i32
        %dma_wait3A_285 = tpu.memref_slice %arg3[%dma_wait3A_284] : memref<640000xi32, #tpu.memory_space<hbm>> -> memref<128xi32, #tpu.memory_space<hbm>>
        %dma_wait3A_286 = arith.constant 0 : i32
        %dma_wait3A_287 = tpu.memref_slice %arg3[%dma_wait3A_286] : memref<640000xi32, #tpu.memory_space<hbm>> -> memref<128xi32, #tpu.memory_space<hbm>>
        tpu.wait_dma2 semaphore(%arg24 : memref<!tpu.dma_semaphore, #tpu.memory_space<semaphore_mem>>) src(%dma_wait3A_287 : memref<128xi32, #tpu.memory_space<hbm>>) dst(%arg9 : memref<128xi32, #tpu.memory_space<vmem>>)
        %dma_wait3A_288 = arith.constant 0 : i32
        %dma_wait3A_289 = tpu.memref_slice %arg3[%dma_wait3A_288] : memref<640000xi32, #tpu.memory_space<hbm>> -> memref<128xi32, #tpu.memory_space<hbm>>
        %dma_wait3A_290 = arith.constant 0 : i32
        %dma_wait3A_291 = tpu.memref_slice %arg3[%dma_wait3A_290] : memref<640000xi32, #tpu.memory_space<hbm>> -> memref<128xi32, #tpu.memory_space<hbm>>
        tpu.wait_dma2 semaphore(%arg24 : memref<!tpu.dma_semaphore, #tpu.memory_space<semaphore_mem>>) src(%dma_wait3A_291 : memref<128xi32, #tpu.memory_space<hbm>>) dst(%arg15 : memref<128xi32, #tpu.memory_space<vmem>>)
        %dma_start3A_292 = arith.constant 0 : i32
        %dma_start3A_293 = tpu.memref_slice %arg2[%mul3A_0, %dma_start3A_292] : memref<20000x128xf32, #tpu.memory_space<hbm>> -> memref<10000x128xf32, #tpu.memory_space<hbm>>
        %dma_start3A_294 = arith.constant 0 : i32
        %dma_start3A_295 = arith.constant 0 : i32
        %dma_start3A_296 = tpu.memref_slice %dma_start3A_293[%dma_start3A_294, %dma_start3A_295] : memref<10000x128xf32, #tpu.memory_space<hbm>> -> memref<10000x128xf32, #tpu.memory_space<hbm>>
        tpu.enqueue_indirect_dma source(%dma_start3A_296 : memref<10000x128xf32, #tpu.memory_space<hbm>>) target(%arg18 : memref<128x128xf32, #tpu.memory_space<vmem>>) offsets(%arg9 : memref<128xi32, #tpu.memory_space<vmem>>) semaphore(%arg27 : memref<!tpu.dma_semaphore, #tpu.memory_space<semaphore_mem>>)
      } else {
      }
      %sub3A_170 = arith.constant 4 : i32
      %sub3A_171 = arith.subi %add3A_7, %sub3A_170 : i32
      %lt3A_172 = arith.cmpi slt, %add3A_150, %sub3A_171 : i32
      %convert_element_type3A_173 = arith.extui %lt3A_172 : i1 to i32
      %cond3A_174 = arith.constant 0 : i32
      %cond3A_175 = arith.cmpi ne, %convert_element_type3A_173, %cond3A_174 : i32
      scf.if %cond3A_175 {
        %add3A_284 = arith.constant 4 : i32
        %add3A_285 = arith.addi %add3A_150, %add3A_284 : i32
        %lt3A_286 = arith.constant 156 : i32
        %lt3A_287 = arith.cmpi slt, %add3A_285, %lt3A_286 : i32
        %mul3A_288 = arith.constant 156 : i32
        %mul3A_289 = arith.muli %arg1, %mul3A_288 : i32
        %add3A_290 = arith.addi %mul3A_289, %add3A_285 : i32
        %add3A_291 = arith.constant 2496 : i32
        %add3A_292 = arith.addi %add3A_291, %arg1 : i32
        %select_n3A_293 = arith.select %lt3A_287, %add3A_290, %add3A_292 : i32
        %mul3A_294 = arith.constant 128 : i32
        %mul3A_295 = arith.muli %select_n3A_293, %mul3A_294 : i32
        %dma_start3A_296 = tpu.memref_slice %arg3[%mul3A_295] : memref<640000xi32, #tpu.memory_space<hbm>> -> memref<128xi32, #tpu.memory_space<hbm>>
        %dma_start3A_297 = tpu.memref_slice %arg3[%mul3A_295] : memref<640000xi32, #tpu.memory_space<hbm>> -> memref<128xi32, #tpu.memory_space<hbm>>
        tpu.enqueue_dma source(%dma_start3A_297 : memref<128xi32, #tpu.memory_space<hbm>>) target(%arg11 : memref<128xi32, #tpu.memory_space<vmem>>) target_semaphore(%arg26 : memref<!tpu.dma_semaphore, #tpu.memory_space<semaphore_mem>>)
        %mul3A_298 = arith.constant 128 : i32
        %mul3A_299 = arith.muli %select_n3A_293, %mul3A_298 : i32
        %add3A_300 = arith.constant 320000 : i32
        %add3A_301 = arith.addi %add3A_300, %mul3A_299 : i32
        %dma_start3A_302 = tpu.memref_slice %arg3[%add3A_301] : memref<640000xi32, #tpu.memory_space<hbm>> -> memref<128xi32, #tpu.memory_space<hbm>>
        %dma_start3A_303 = tpu.memref_slice %arg3[%add3A_301] : memref<640000xi32, #tpu.memory_space<hbm>> -> memref<128xi32, #tpu.memory_space<hbm>>
        tpu.enqueue_dma source(%dma_start3A_303 : memref<128xi32, #tpu.memory_space<hbm>>) target(%arg17 : memref<128xi32, #tpu.memory_space<vmem>>) target_semaphore(%arg26 : memref<!tpu.dma_semaphore, #tpu.memory_space<semaphore_mem>>)
      } else {
      }
      %add3A_176 = arith.constant 2 : i32
      %add3A_177 = arith.addi %mul3A_124, %add3A_176 : i32
      %lt3A_178 = arith.cmpi slt, %add3A_177, %add3A_7 : i32
      %convert_element_type3A_179 = arith.extui %lt3A_178 : i1 to i32
      %cond3A_180 = arith.constant 0 : i32
      %cond3A_181 = arith.cmpi ne, %convert_element_type3A_179, %cond3A_180 : i32
      scf.if %cond3A_181 {
        %dma_wait3A_284 = arith.constant 0 : i32
        %dma_wait3A_285 = arith.constant 0 : i32
        %dma_wait3A_286 = tpu.memref_slice %arg2[%dma_wait3A_284, %dma_wait3A_285] : memref<20000x128xf32, #tpu.memory_space<hbm>> -> memref<128x128xf32, #tpu.memory_space<hbm>>
        %dma_wait3A_287 = arith.constant 0 : i32
        %dma_wait3A_288 = arith.constant 0 : i32
        %dma_wait3A_289 = tpu.memref_slice %arg2[%dma_wait3A_287, %dma_wait3A_288] : memref<20000x128xf32, #tpu.memory_space<hbm>> -> memref<128x128xf32, #tpu.memory_space<hbm>>
        tpu.wait_dma2 semaphore(%arg29 : memref<!tpu.dma_semaphore, #tpu.memory_space<semaphore_mem>>) src(%dma_wait3A_289 : memref<128x128xf32, #tpu.memory_space<hbm>>) dst(%arg20 : memref<128x128xf32, #tpu.memory_space<vmem>>)
        %dma_start3A_290 = arith.constant 0 : i32
        %dma_start3A_291 = arith.constant 0 : i32
        %dma_start3A_292 = tpu.memref_slice %arg33[%dma_start3A_290, %dma_start3A_291] : memref<10000x128xf32, #tpu.memory_space<vmem_shared>> -> memref<10000x128xf32, #tpu.memory_space<vmem_shared>>
        tpu.enqueue_indirect_dma source(%arg20 : memref<128x128xf32, #tpu.memory_space<vmem>>) target(%dma_start3A_292 : memref<10000x128xf32, #tpu.memory_space<vmem_shared>>) offsets(%arg14 : memref<128xi32, #tpu.memory_space<vmem>>) semaphore(%arg32 : memref<!tpu.dma_semaphore, #tpu.memory_space<semaphore_mem>>) {add = true}
      } else {
      }
      %ge3A_182 = arith.constant 1 : i32
      %ge3A_183 = arith.cmpi sge, %add3A_177, %ge3A_182 : i32
      %add3A_184 = arith.constant 1 : i32
      %add3A_185 = arith.addi %add3A_7, %add3A_184 : i32
      %lt3A_186 = arith.cmpi slt, %add3A_177, %add3A_185 : i32
      %and3A_187 = arith.andi %ge3A_183, %lt3A_186 : i1
      %convert_element_type3A_188 = arith.extui %and3A_187 : i1 to i32
      %cond3A_189 = arith.constant 0 : i32
      %cond3A_190 = arith.cmpi ne, %convert_element_type3A_188, %cond3A_189 : i32
      scf.if %cond3A_190 {
        %dma_wait3A_284 = arith.constant 0 : i32
        %dma_wait3A_285 = arith.constant 0 : i32
        %dma_wait3A_286 = tpu.memref_slice %arg2[%dma_wait3A_284, %dma_wait3A_285] : memref<20000x128xf32, #tpu.memory_space<hbm>> -> memref<128x128xf32, #tpu.memory_space<hbm>>
        %dma_wait3A_287 = arith.constant 0 : i32
        %dma_wait3A_288 = arith.constant 0 : i32
        %dma_wait3A_289 = tpu.memref_slice %arg2[%dma_wait3A_287, %dma_wait3A_288] : memref<20000x128xf32, #tpu.memory_space<hbm>> -> memref<128x128xf32, #tpu.memory_space<hbm>>
        tpu.wait_dma2 semaphore(%arg31 : memref<!tpu.dma_semaphore, #tpu.memory_space<semaphore_mem>>) src(%dma_wait3A_289 : memref<128x128xf32, #tpu.memory_space<hbm>>) dst(%arg19 : memref<128x128xf32, #tpu.memory_space<vmem>>)
      } else {
      }
      %sub3A_191 = arith.constant 2 : i32
      %sub3A_192 = arith.subi %add3A_7, %sub3A_191 : i32
      %lt3A_193 = arith.cmpi slt, %add3A_177, %sub3A_192 : i32
      %convert_element_type3A_194 = arith.extui %lt3A_193 : i1 to i32
      %cond3A_195 = arith.constant 0 : i32
      %cond3A_196 = arith.cmpi ne, %convert_element_type3A_194, %cond3A_195 : i32
      scf.if %cond3A_196 {
        %dma_wait3A_284 = arith.constant 0 : i32
        %dma_wait3A_285 = tpu.memref_slice %arg3[%dma_wait3A_284] : memref<640000xi32, #tpu.memory_space<hbm>> -> memref<128xi32, #tpu.memory_space<hbm>>
        %dma_wait3A_286 = arith.constant 0 : i32
        %dma_wait3A_287 = tpu.memref_slice %arg3[%dma_wait3A_286] : memref<640000xi32, #tpu.memory_space<hbm>> -> memref<128xi32, #tpu.memory_space<hbm>>
        tpu.wait_dma2 semaphore(%arg25 : memref<!tpu.dma_semaphore, #tpu.memory_space<semaphore_mem>>) src(%dma_wait3A_287 : memref<128xi32, #tpu.memory_space<hbm>>) dst(%arg10 : memref<128xi32, #tpu.memory_space<vmem>>)
        %dma_wait3A_288 = arith.constant 0 : i32
        %dma_wait3A_289 = tpu.memref_slice %arg3[%dma_wait3A_288] : memref<640000xi32, #tpu.memory_space<hbm>> -> memref<128xi32, #tpu.memory_space<hbm>>
        %dma_wait3A_290 = arith.constant 0 : i32
        %dma_wait3A_291 = tpu.memref_slice %arg3[%dma_wait3A_290] : memref<640000xi32, #tpu.memory_space<hbm>> -> memref<128xi32, #tpu.memory_space<hbm>>
        tpu.wait_dma2 semaphore(%arg25 : memref<!tpu.dma_semaphore, #tpu.memory_space<semaphore_mem>>) src(%dma_wait3A_291 : memref<128xi32, #tpu.memory_space<hbm>>) dst(%arg16 : memref<128xi32, #tpu.memory_space<vmem>>)
        %dma_start3A_292 = arith.constant 0 : i32
        %dma_start3A_293 = tpu.memref_slice %arg2[%mul3A_0, %dma_start3A_292] : memref<20000x128xf32, #tpu.memory_space<hbm>> -> memref<10000x128xf32, #tpu.memory_space<hbm>>
        %dma_start3A_294 = arith.constant 0 : i32
        %dma_start3A_295 = arith.constant 0 : i32
        %dma_start3A_296 = tpu.memref_slice %dma_start3A_293[%dma_start3A_294, %dma_start3A_295] : memref<10000x128xf32, #tpu.memory_space<hbm>> -> memref<10000x128xf32, #tpu.memory_space<hbm>>
        tpu.enqueue_indirect_dma source(%dma_start3A_296 : memref<10000x128xf32, #tpu.memory_space<hbm>>) target(%arg19 : memref<128x128xf32, #tpu.memory_space<vmem>>) offsets(%arg10 : memref<128xi32, #tpu.memory_space<vmem>>) semaphore(%arg28 : memref<!tpu.dma_semaphore, #tpu.memory_space<semaphore_mem>>)
      } else {
      }
      %sub3A_197 = arith.constant 4 : i32
      %sub3A_198 = arith.subi %add3A_7, %sub3A_197 : i32
      %lt3A_199 = arith.cmpi slt, %add3A_177, %sub3A_198 : i32
      %convert_element_type3A_200 = arith.extui %lt3A_199 : i1 to i32
      %cond3A_201 = arith.constant 0 : i32
      %cond3A_202 = arith.cmpi ne, %convert_element_type3A_200, %cond3A_201 : i32
      scf.if %cond3A_202 {
        %add3A_284 = arith.constant 4 : i32
        %add3A_285 = arith.addi %add3A_177, %add3A_284 : i32
        %lt3A_286 = arith.constant 156 : i32
        %lt3A_287 = arith.cmpi slt, %add3A_285, %lt3A_286 : i32
        %mul3A_288 = arith.constant 156 : i32
        %mul3A_289 = arith.muli %arg1, %mul3A_288 : i32
        %add3A_290 = arith.addi %mul3A_289, %add3A_285 : i32
        %add3A_291 = arith.constant 2496 : i32
        %add3A_292 = arith.addi %add3A_291, %arg1 : i32
        %select_n3A_293 = arith.select %lt3A_287, %add3A_290, %add3A_292 : i32
        %mul3A_294 = arith.constant 128 : i32
        %mul3A_295 = arith.muli %select_n3A_293, %mul3A_294 : i32
        %dma_start3A_296 = tpu.memref_slice %arg3[%mul3A_295] : memref<640000xi32, #tpu.memory_space<hbm>> -> memref<128xi32, #tpu.memory_space<hbm>>
        %dma_start3A_297 = tpu.memref_slice %arg3[%mul3A_295] : memref<640000xi32, #tpu.memory_space<hbm>> -> memref<128xi32, #tpu.memory_space<hbm>>
        tpu.enqueue_dma source(%dma_start3A_297 : memref<128xi32, #tpu.memory_space<hbm>>) target(%arg6 : memref<128xi32, #tpu.memory_space<vmem>>) target_semaphore(%arg21 : memref<!tpu.dma_semaphore, #tpu.memory_space<semaphore_mem>>)
        %mul3A_298 = arith.constant 128 : i32
        %mul3A_299 = arith.muli %select_n3A_293, %mul3A_298 : i32
        %add3A_300 = arith.constant 320000 : i32
        %add3A_301 = arith.addi %add3A_300, %mul3A_299 : i32
        %dma_start3A_302 = tpu.memref_slice %arg3[%add3A_301] : memref<640000xi32, #tpu.memory_space<hbm>> -> memref<128xi32, #tpu.memory_space<hbm>>
        %dma_start3A_303 = tpu.memref_slice %arg3[%add3A_301] : memref<640000xi32, #tpu.memory_space<hbm>> -> memref<128xi32, #tpu.memory_space<hbm>>
        tpu.enqueue_dma source(%dma_start3A_303 : memref<128xi32, #tpu.memory_space<hbm>>) target(%arg12 : memref<128xi32, #tpu.memory_space<vmem>>) target_semaphore(%arg21 : memref<!tpu.dma_semaphore, #tpu.memory_space<semaphore_mem>>)
      } else {
      }
      %add3A_203 = arith.constant 3 : i32
      %add3A_204 = arith.addi %mul3A_124, %add3A_203 : i32
      %lt3A_205 = arith.cmpi slt, %add3A_204, %add3A_7 : i32
      %convert_element_type3A_206 = arith.extui %lt3A_205 : i1 to i32
      %cond3A_207 = arith.constant 0 : i32
      %cond3A_208 = arith.cmpi ne, %convert_element_type3A_206, %cond3A_207 : i32
      scf.if %cond3A_208 {
        %dma_wait3A_284 = arith.constant 0 : i32
        %dma_wait3A_285 = arith.constant 0 : i32
        %dma_wait3A_286 = tpu.memref_slice %arg2[%dma_wait3A_284, %dma_wait3A_285] : memref<20000x128xf32, #tpu.memory_space<hbm>> -> memref<128x128xf32, #tpu.memory_space<hbm>>
        %dma_wait3A_287 = arith.constant 0 : i32
        %dma_wait3A_288 = arith.constant 0 : i32
        %dma_wait3A_289 = tpu.memref_slice %arg2[%dma_wait3A_287, %dma_wait3A_288] : memref<20000x128xf32, #tpu.memory_space<hbm>> -> memref<128x128xf32, #tpu.memory_space<hbm>>
        tpu.wait_dma2 semaphore(%arg27 : memref<!tpu.dma_semaphore, #tpu.memory_space<semaphore_mem>>) src(%dma_wait3A_289 : memref<128x128xf32, #tpu.memory_space<hbm>>) dst(%arg18 : memref<128x128xf32, #tpu.memory_space<vmem>>)
        %dma_start3A_290 = arith.constant 0 : i32
        %dma_start3A_291 = arith.constant 0 : i32
        %dma_start3A_292 = tpu.memref_slice %arg33[%dma_start3A_290, %dma_start3A_291] : memref<10000x128xf32, #tpu.memory_space<vmem_shared>> -> memref<10000x128xf32, #tpu.memory_space<vmem_shared>>
        tpu.enqueue_indirect_dma source(%arg18 : memref<128x128xf32, #tpu.memory_space<vmem>>) target(%dma_start3A_292 : memref<10000x128xf32, #tpu.memory_space<vmem_shared>>) offsets(%arg15 : memref<128xi32, #tpu.memory_space<vmem>>) semaphore(%arg30 : memref<!tpu.dma_semaphore, #tpu.memory_space<semaphore_mem>>) {add = true}
      } else {
      }
      %ge3A_209 = arith.constant 1 : i32
      %ge3A_210 = arith.cmpi sge, %add3A_204, %ge3A_209 : i32
      %add3A_211 = arith.constant 1 : i32
      %add3A_212 = arith.addi %add3A_7, %add3A_211 : i32
      %lt3A_213 = arith.cmpi slt, %add3A_204, %add3A_212 : i32
      %and3A_214 = arith.andi %ge3A_210, %lt3A_213 : i1
      %convert_element_type3A_215 = arith.extui %and3A_214 : i1 to i32
      %cond3A_216 = arith.constant 0 : i32
      %cond3A_217 = arith.cmpi ne, %convert_element_type3A_215, %cond3A_216 : i32
      scf.if %cond3A_217 {
        %dma_wait3A_284 = arith.constant 0 : i32
        %dma_wait3A_285 = arith.constant 0 : i32
        %dma_wait3A_286 = tpu.memref_slice %arg2[%dma_wait3A_284, %dma_wait3A_285] : memref<20000x128xf32, #tpu.memory_space<hbm>> -> memref<128x128xf32, #tpu.memory_space<hbm>>
        %dma_wait3A_287 = arith.constant 0 : i32
        %dma_wait3A_288 = arith.constant 0 : i32
        %dma_wait3A_289 = tpu.memref_slice %arg2[%dma_wait3A_287, %dma_wait3A_288] : memref<20000x128xf32, #tpu.memory_space<hbm>> -> memref<128x128xf32, #tpu.memory_space<hbm>>
        tpu.wait_dma2 semaphore(%arg32 : memref<!tpu.dma_semaphore, #tpu.memory_space<semaphore_mem>>) src(%dma_wait3A_289 : memref<128x128xf32, #tpu.memory_space<hbm>>) dst(%arg20 : memref<128x128xf32, #tpu.memory_space<vmem>>)
      } else {
      }
      %sub3A_218 = arith.constant 2 : i32
      %sub3A_219 = arith.subi %add3A_7, %sub3A_218 : i32
      %lt3A_220 = arith.cmpi slt, %add3A_204, %sub3A_219 : i32
      %convert_element_type3A_221 = arith.extui %lt3A_220 : i1 to i32
      %cond3A_222 = arith.constant 0 : i32
      %cond3A_223 = arith.cmpi ne, %convert_element_type3A_221, %cond3A_222 : i32
      scf.if %cond3A_223 {
        %dma_wait3A_284 = arith.constant 0 : i32
        %dma_wait3A_285 = tpu.memref_slice %arg3[%dma_wait3A_284] : memref<640000xi32, #tpu.memory_space<hbm>> -> memref<128xi32, #tpu.memory_space<hbm>>
        %dma_wait3A_286 = arith.constant 0 : i32
        %dma_wait3A_287 = tpu.memref_slice %arg3[%dma_wait3A_286] : memref<640000xi32, #tpu.memory_space<hbm>> -> memref<128xi32, #tpu.memory_space<hbm>>
        tpu.wait_dma2 semaphore(%arg26 : memref<!tpu.dma_semaphore, #tpu.memory_space<semaphore_mem>>) src(%dma_wait3A_287 : memref<128xi32, #tpu.memory_space<hbm>>) dst(%arg11 : memref<128xi32, #tpu.memory_space<vmem>>)
        %dma_wait3A_288 = arith.constant 0 : i32
        %dma_wait3A_289 = tpu.memref_slice %arg3[%dma_wait3A_288] : memref<640000xi32, #tpu.memory_space<hbm>> -> memref<128xi32, #tpu.memory_space<hbm>>
        %dma_wait3A_290 = arith.constant 0 : i32
        %dma_wait3A_291 = tpu.memref_slice %arg3[%dma_wait3A_290] : memref<640000xi32, #tpu.memory_space<hbm>> -> memref<128xi32, #tpu.memory_space<hbm>>
        tpu.wait_dma2 semaphore(%arg26 : memref<!tpu.dma_semaphore, #tpu.memory_space<semaphore_mem>>) src(%dma_wait3A_291 : memref<128xi32, #tpu.memory_space<hbm>>) dst(%arg17 : memref<128xi32, #tpu.memory_space<vmem>>)
        %dma_start3A_292 = arith.constant 0 : i32
        %dma_start3A_293 = tpu.memref_slice %arg2[%mul3A_0, %dma_start3A_292] : memref<20000x128xf32, #tpu.memory_space<hbm>> -> memref<10000x128xf32, #tpu.memory_space<hbm>>
        %dma_start3A_294 = arith.constant 0 : i32
        %dma_start3A_295 = arith.constant 0 : i32
        %dma_start3A_296 = tpu.memref_slice %dma_start3A_293[%dma_start3A_294, %dma_start3A_295] : memref<10000x128xf32, #tpu.memory_space<hbm>> -> memref<10000x128xf32, #tpu.memory_space<hbm>>
        tpu.enqueue_indirect_dma source(%dma_start3A_296 : memref<10000x128xf32, #tpu.memory_space<hbm>>) target(%arg20 : memref<128x128xf32, #tpu.memory_space<vmem>>) offsets(%arg11 : memref<128xi32, #tpu.memory_space<vmem>>) semaphore(%arg29 : memref<!tpu.dma_semaphore, #tpu.memory_space<semaphore_mem>>)
      } else {
      }
      %sub3A_224 = arith.constant 4 : i32
      %sub3A_225 = arith.subi %add3A_7, %sub3A_224 : i32
      %lt3A_226 = arith.cmpi slt, %add3A_204, %sub3A_225 : i32
      %convert_element_type3A_227 = arith.extui %lt3A_226 : i1 to i32
      %cond3A_228 = arith.constant 0 : i32
      %cond3A_229 = arith.cmpi ne, %convert_element_type3A_227, %cond3A_228 : i32
      scf.if %cond3A_229 {
        %add3A_284 = arith.constant 4 : i32
        %add3A_285 = arith.addi %add3A_204, %add3A_284 : i32
        %lt3A_286 = arith.constant 156 : i32
        %lt3A_287 = arith.cmpi slt, %add3A_285, %lt3A_286 : i32
        %mul3A_288 = arith.constant 156 : i32
        %mul3A_289 = arith.muli %arg1, %mul3A_288 : i32
        %add3A_290 = arith.addi %mul3A_289, %add3A_285 : i32
        %add3A_291 = arith.constant 2496 : i32
        %add3A_292 = arith.addi %add3A_291, %arg1 : i32
        %select_n3A_293 = arith.select %lt3A_287, %add3A_290, %add3A_292 : i32
        %mul3A_294 = arith.constant 128 : i32
        %mul3A_295 = arith.muli %select_n3A_293, %mul3A_294 : i32
        %dma_start3A_296 = tpu.memref_slice %arg3[%mul3A_295] : memref<640000xi32, #tpu.memory_space<hbm>> -> memref<128xi32, #tpu.memory_space<hbm>>
        %dma_start3A_297 = tpu.memref_slice %arg3[%mul3A_295] : memref<640000xi32, #tpu.memory_space<hbm>> -> memref<128xi32, #tpu.memory_space<hbm>>
        tpu.enqueue_dma source(%dma_start3A_297 : memref<128xi32, #tpu.memory_space<hbm>>) target(%arg7 : memref<128xi32, #tpu.memory_space<vmem>>) target_semaphore(%arg22 : memref<!tpu.dma_semaphore, #tpu.memory_space<semaphore_mem>>)
        %mul3A_298 = arith.constant 128 : i32
        %mul3A_299 = arith.muli %select_n3A_293, %mul3A_298 : i32
        %add3A_300 = arith.constant 320000 : i32
        %add3A_301 = arith.addi %add3A_300, %mul3A_299 : i32
        %dma_start3A_302 = tpu.memref_slice %arg3[%add3A_301] : memref<640000xi32, #tpu.memory_space<hbm>> -> memref<128xi32, #tpu.memory_space<hbm>>
        %dma_start3A_303 = tpu.memref_slice %arg3[%add3A_301] : memref<640000xi32, #tpu.memory_space<hbm>> -> memref<128xi32, #tpu.memory_space<hbm>>
        tpu.enqueue_dma source(%dma_start3A_303 : memref<128xi32, #tpu.memory_space<hbm>>) target(%arg13 : memref<128xi32, #tpu.memory_space<vmem>>) target_semaphore(%arg22 : memref<!tpu.dma_semaphore, #tpu.memory_space<semaphore_mem>>)
      } else {
      }
      %add3A_230 = arith.constant 4 : i32
      %add3A_231 = arith.addi %mul3A_124, %add3A_230 : i32
      %lt3A_232 = arith.cmpi slt, %add3A_231, %add3A_7 : i32
      %convert_element_type3A_233 = arith.extui %lt3A_232 : i1 to i32
      %cond3A_234 = arith.constant 0 : i32
      %cond3A_235 = arith.cmpi ne, %convert_element_type3A_233, %cond3A_234 : i32
      scf.if %cond3A_235 {
        %dma_wait3A_284 = arith.constant 0 : i32
        %dma_wait3A_285 = arith.constant 0 : i32
        %dma_wait3A_286 = tpu.memref_slice %arg2[%dma_wait3A_284, %dma_wait3A_285] : memref<20000x128xf32, #tpu.memory_space<hbm>> -> memref<128x128xf32, #tpu.memory_space<hbm>>
        %dma_wait3A_287 = arith.constant 0 : i32
        %dma_wait3A_288 = arith.constant 0 : i32
        %dma_wait3A_289 = tpu.memref_slice %arg2[%dma_wait3A_287, %dma_wait3A_288] : memref<20000x128xf32, #tpu.memory_space<hbm>> -> memref<128x128xf32, #tpu.memory_space<hbm>>
        tpu.wait_dma2 semaphore(%arg28 : memref<!tpu.dma_semaphore, #tpu.memory_space<semaphore_mem>>) src(%dma_wait3A_289 : memref<128x128xf32, #tpu.memory_space<hbm>>) dst(%arg19 : memref<128x128xf32, #tpu.memory_space<vmem>>)
        %dma_start3A_290 = arith.constant 0 : i32
        %dma_start3A_291 = arith.constant 0 : i32
        %dma_start3A_292 = tpu.memref_slice %arg33[%dma_start3A_290, %dma_start3A_291] : memref<10000x128xf32, #tpu.memory_space<vmem_shared>> -> memref<10000x128xf32, #tpu.memory_space<vmem_shared>>
        tpu.enqueue_indirect_dma source(%arg19 : memref<128x128xf32, #tpu.memory_space<vmem>>) target(%dma_start3A_292 : memref<10000x128xf32, #tpu.memory_space<vmem_shared>>) offsets(%arg16 : memref<128xi32, #tpu.memory_space<vmem>>) semaphore(%arg31 : memref<!tpu.dma_semaphore, #tpu.memory_space<semaphore_mem>>) {add = true}
      } else {
      }
      %ge3A_236 = arith.constant 1 : i32
      %ge3A_237 = arith.cmpi sge, %add3A_231, %ge3A_236 : i32
      %add3A_238 = arith.constant 1 : i32
      %add3A_239 = arith.addi %add3A_7, %add3A_238 : i32
      %lt3A_240 = arith.cmpi slt, %add3A_231, %add3A_239 : i32
      %and3A_241 = arith.andi %ge3A_237, %lt3A_240 : i1
      %convert_element_type3A_242 = arith.extui %and3A_241 : i1 to i32
      %cond3A_243 = arith.constant 0 : i32
      %cond3A_244 = arith.cmpi ne, %convert_element_type3A_242, %cond3A_243 : i32
      scf.if %cond3A_244 {
        %dma_wait3A_284 = arith.constant 0 : i32
        %dma_wait3A_285 = arith.constant 0 : i32
        %dma_wait3A_286 = tpu.memref_slice %arg2[%dma_wait3A_284, %dma_wait3A_285] : memref<20000x128xf32, #tpu.memory_space<hbm>> -> memref<128x128xf32, #tpu.memory_space<hbm>>
        %dma_wait3A_287 = arith.constant 0 : i32
        %dma_wait3A_288 = arith.constant 0 : i32
        %dma_wait3A_289 = tpu.memref_slice %arg2[%dma_wait3A_287, %dma_wait3A_288] : memref<20000x128xf32, #tpu.memory_space<hbm>> -> memref<128x128xf32, #tpu.memory_space<hbm>>
        tpu.wait_dma2 semaphore(%arg30 : memref<!tpu.dma_semaphore, #tpu.memory_space<semaphore_mem>>) src(%dma_wait3A_289 : memref<128x128xf32, #tpu.memory_space<hbm>>) dst(%arg18 : memref<128x128xf32, #tpu.memory_space<vmem>>)
      } else {
      }
      %sub3A_245 = arith.constant 2 : i32
      %sub3A_246 = arith.subi %add3A_7, %sub3A_245 : i32
      %lt3A_247 = arith.cmpi slt, %add3A_231, %sub3A_246 : i32
      %convert_element_type3A_248 = arith.extui %lt3A_247 : i1 to i32
      %cond3A_249 = arith.constant 0 : i32
      %cond3A_250 = arith.cmpi ne, %convert_element_type3A_248, %cond3A_249 : i32
      scf.if %cond3A_250 {
        %dma_wait3A_284 = arith.constant 0 : i32
        %dma_wait3A_285 = tpu.memref_slice %arg3[%dma_wait3A_284] : memref<640000xi32, #tpu.memory_space<hbm>> -> memref<128xi32, #tpu.memory_space<hbm>>
        %dma_wait3A_286 = arith.constant 0 : i32
        %dma_wait3A_287 = tpu.memref_slice %arg3[%dma_wait3A_286] : memref<640000xi32, #tpu.memory_space<hbm>> -> memref<128xi32, #tpu.memory_space<hbm>>
        tpu.wait_dma2 semaphore(%arg21 : memref<!tpu.dma_semaphore, #tpu.memory_space<semaphore_mem>>) src(%dma_wait3A_287 : memref<128xi32, #tpu.memory_space<hbm>>) dst(%arg6 : memref<128xi32, #tpu.memory_space<vmem>>)
        %dma_wait3A_288 = arith.constant 0 : i32
        %dma_wait3A_289 = tpu.memref_slice %arg3[%dma_wait3A_288] : memref<640000xi32, #tpu.memory_space<hbm>> -> memref<128xi32, #tpu.memory_space<hbm>>
        %dma_wait3A_290 = arith.constant 0 : i32
        %dma_wait3A_291 = tpu.memref_slice %arg3[%dma_wait3A_290] : memref<640000xi32, #tpu.memory_space<hbm>> -> memref<128xi32, #tpu.memory_space<hbm>>
        tpu.wait_dma2 semaphore(%arg21 : memref<!tpu.dma_semaphore, #tpu.memory_space<semaphore_mem>>) src(%dma_wait3A_291 : memref<128xi32, #tpu.memory_space<hbm>>) dst(%arg12 : memref<128xi32, #tpu.memory_space<vmem>>)
        %dma_start3A_292 = arith.constant 0 : i32
        %dma_start3A_293 = tpu.memref_slice %arg2[%mul3A_0, %dma_start3A_292] : memref<20000x128xf32, #tpu.memory_space<hbm>> -> memref<10000x128xf32, #tpu.memory_space<hbm>>
        %dma_start3A_294 = arith.constant 0 : i32
        %dma_start3A_295 = arith.constant 0 : i32
        %dma_start3A_296 = tpu.memref_slice %dma_start3A_293[%dma_start3A_294, %dma_start3A_295] : memref<10000x128xf32, #tpu.memory_space<hbm>> -> memref<10000x128xf32, #tpu.memory_space<hbm>>
        tpu.enqueue_indirect_dma source(%dma_start3A_296 : memref<10000x128xf32, #tpu.memory_space<hbm>>) target(%arg18 : memref<128x128xf32, #tpu.memory_space<vmem>>) offsets(%arg6 : memref<128xi32, #tpu.memory_space<vmem>>) semaphore(%arg27 : memref<!tpu.dma_semaphore, #tpu.memory_space<semaphore_mem>>)
      } else {
      }
      %sub3A_251 = arith.constant 4 : i32
      %sub3A_252 = arith.subi %add3A_7, %sub3A_251 : i32
      %lt3A_253 = arith.cmpi slt, %add3A_231, %sub3A_252 : i32
      %convert_element_type3A_254 = arith.extui %lt3A_253 : i1 to i32
      %cond3A_255 = arith.constant 0 : i32
      %cond3A_256 = arith.cmpi ne, %convert_element_type3A_254, %cond3A_255 : i32
      scf.if %cond3A_256 {
        %add3A_284 = arith.constant 4 : i32
        %add3A_285 = arith.addi %add3A_231, %add3A_284 : i32
        %lt3A_286 = arith.constant 156 : i32
        %lt3A_287 = arith.cmpi slt, %add3A_285, %lt3A_286 : i32
        %mul3A_288 = arith.constant 156 : i32
        %mul3A_289 = arith.muli %arg1, %mul3A_288 : i32
        %add3A_290 = arith.addi %mul3A_289, %add3A_285 : i32
        %add3A_291 = arith.constant 2496 : i32
        %add3A_292 = arith.addi %add3A_291, %arg1 : i32
        %select_n3A_293 = arith.select %lt3A_287, %add3A_290, %add3A_292 : i32
        %mul3A_294 = arith.constant 128 : i32
        %mul3A_295 = arith.muli %select_n3A_293, %mul3A_294 : i32
        %dma_start3A_296 = tpu.memref_slice %arg3[%mul3A_295] : memref<640000xi32, #tpu.memory_space<hbm>> -> memref<128xi32, #tpu.memory_space<hbm>>
        %dma_start3A_297 = tpu.memref_slice %arg3[%mul3A_295] : memref<640000xi32, #tpu.memory_space<hbm>> -> memref<128xi32, #tpu.memory_space<hbm>>
        tpu.enqueue_dma source(%dma_start3A_297 : memref<128xi32, #tpu.memory_space<hbm>>) target(%arg8 : memref<128xi32, #tpu.memory_space<vmem>>) target_semaphore(%arg23 : memref<!tpu.dma_semaphore, #tpu.memory_space<semaphore_mem>>)
        %mul3A_298 = arith.constant 128 : i32
        %mul3A_299 = arith.muli %select_n3A_293, %mul3A_298 : i32
        %add3A_300 = arith.constant 320000 : i32
        %add3A_301 = arith.addi %add3A_300, %mul3A_299 : i32
        %dma_start3A_302 = tpu.memref_slice %arg3[%add3A_301] : memref<640000xi32, #tpu.memory_space<hbm>> -> memref<128xi32, #tpu.memory_space<hbm>>
        %dma_start3A_303 = tpu.memref_slice %arg3[%add3A_301] : memref<640000xi32, #tpu.memory_space<hbm>> -> memref<128xi32, #tpu.memory_space<hbm>>
        tpu.enqueue_dma source(%dma_start3A_303 : memref<128xi32, #tpu.memory_space<hbm>>) target(%arg14 : memref<128xi32, #tpu.memory_space<vmem>>) target_semaphore(%arg23 : memref<!tpu.dma_semaphore, #tpu.memory_space<semaphore_mem>>)
      } else {
      }
      %add3A_257 = arith.constant 5 : i32
      %add3A_258 = arith.addi %mul3A_124, %add3A_257 : i32
      %lt3A_259 = arith.cmpi slt, %add3A_258, %add3A_7 : i32
      %convert_element_type3A_260 = arith.extui %lt3A_259 : i1 to i32
      %cond3A_261 = arith.constant 0 : i32
      %cond3A_262 = arith.cmpi ne, %convert_element_type3A_260, %cond3A_261 : i32
      scf.if %cond3A_262 {
        %dma_wait3A_284 = arith.constant 0 : i32
        %dma_wait3A_285 = arith.constant 0 : i32
        %dma_wait3A_286 = tpu.memref_slice %arg2[%dma_wait3A_284, %dma_wait3A_285] : memref<20000x128xf32, #tpu.memory_space<hbm>> -> memref<128x128xf32, #tpu.memory_space<hbm>>
        %dma_wait3A_287 = arith.constant 0 : i32
        %dma_wait3A_288 = arith.constant 0 : i32
        %dma_wait3A_289 = tpu.memref_slice %arg2[%dma_wait3A_287, %dma_wait3A_288] : memref<20000x128xf32, #tpu.memory_space<hbm>> -> memref<128x128xf32, #tpu.memory_space<hbm>>
        tpu.wait_dma2 semaphore(%arg29 : memref<!tpu.dma_semaphore, #tpu.memory_space<semaphore_mem>>) src(%dma_wait3A_289 : memref<128x128xf32, #tpu.memory_space<hbm>>) dst(%arg20 : memref<128x128xf32, #tpu.memory_space<vmem>>)
        %dma_start3A_290 = arith.constant 0 : i32
        %dma_start3A_291 = arith.constant 0 : i32
        %dma_start3A_292 = tpu.memref_slice %arg33[%dma_start3A_290, %dma_start3A_291] : memref<10000x128xf32, #tpu.memory_space<vmem_shared>> -> memref<10000x128xf32, #tpu.memory_space<vmem_shared>>
        tpu.enqueue_indirect_dma source(%arg20 : memref<128x128xf32, #tpu.memory_space<vmem>>) target(%dma_start3A_292 : memref<10000x128xf32, #tpu.memory_space<vmem_shared>>) offsets(%arg17 : memref<128xi32, #tpu.memory_space<vmem>>) semaphore(%arg32 : memref<!tpu.dma_semaphore, #tpu.memory_space<semaphore_mem>>) {add = true}
      } else {
      }
      %ge3A_263 = arith.constant 1 : i32
      %ge3A_264 = arith.cmpi sge, %add3A_258, %ge3A_263 : i32
      %add3A_265 = arith.constant 1 : i32
      %add3A_266 = arith.addi %add3A_7, %add3A_265 : i32
      %lt3A_267 = arith.cmpi slt, %add3A_258, %add3A_266 : i32
      %and3A_268 = arith.andi %ge3A_264, %lt3A_267 : i1
      %convert_element_type3A_269 = arith.extui %and3A_268 : i1 to i32
      %cond3A_270 = arith.constant 0 : i32
      %cond3A_271 = arith.cmpi ne, %convert_element_type3A_269, %cond3A_270 : i32
      scf.if %cond3A_271 {
        %dma_wait3A_284 = arith.constant 0 : i32
        %dma_wait3A_285 = arith.constant 0 : i32
        %dma_wait3A_286 = tpu.memref_slice %arg2[%dma_wait3A_284, %dma_wait3A_285] : memref<20000x128xf32, #tpu.memory_space<hbm>> -> memref<128x128xf32, #tpu.memory_space<hbm>>
        %dma_wait3A_287 = arith.constant 0 : i32
        %dma_wait3A_288 = arith.constant 0 : i32
        %dma_wait3A_289 = tpu.memref_slice %arg2[%dma_wait3A_287, %dma_wait3A_288] : memref<20000x128xf32, #tpu.memory_space<hbm>> -> memref<128x128xf32, #tpu.memory_space<hbm>>
        tpu.wait_dma2 semaphore(%arg31 : memref<!tpu.dma_semaphore, #tpu.memory_space<semaphore_mem>>) src(%dma_wait3A_289 : memref<128x128xf32, #tpu.memory_space<hbm>>) dst(%arg19 : memref<128x128xf32, #tpu.memory_space<vmem>>)
      } else {
      }
      %sub3A_272 = arith.constant 2 : i32
      %sub3A_273 = arith.subi %add3A_7, %sub3A_272 : i32
      %lt3A_274 = arith.cmpi slt, %add3A_258, %sub3A_273 : i32
      %convert_element_type3A_275 = arith.extui %lt3A_274 : i1 to i32
      %cond3A_276 = arith.constant 0 : i32
      %cond3A_277 = arith.cmpi ne, %convert_element_type3A_275, %cond3A_276 : i32
      scf.if %cond3A_277 {
        %dma_wait3A_284 = arith.constant 0 : i32
        %dma_wait3A_285 = tpu.memref_slice %arg3[%dma_wait3A_284] : memref<640000xi32, #tpu.memory_space<hbm>> -> memref<128xi32, #tpu.memory_space<hbm>>
        %dma_wait3A_286 = arith.constant 0 : i32
        %dma_wait3A_287 = tpu.memref_slice %arg3[%dma_wait3A_286] : memref<640000xi32, #tpu.memory_space<hbm>> -> memref<128xi32, #tpu.memory_space<hbm>>
        tpu.wait_dma2 semaphore(%arg22 : memref<!tpu.dma_semaphore, #tpu.memory_space<semaphore_mem>>) src(%dma_wait3A_287 : memref<128xi32, #tpu.memory_space<hbm>>) dst(%arg7 : memref<128xi32, #tpu.memory_space<vmem>>)
        %dma_wait3A_288 = arith.constant 0 : i32
        %dma_wait3A_289 = tpu.memref_slice %arg3[%dma_wait3A_288] : memref<640000xi32, #tpu.memory_space<hbm>> -> memref<128xi32, #tpu.memory_space<hbm>>
        %dma_wait3A_290 = arith.constant 0 : i32
        %dma_wait3A_291 = tpu.memref_slice %arg3[%dma_wait3A_290] : memref<640000xi32, #tpu.memory_space<hbm>> -> memref<128xi32, #tpu.memory_space<hbm>>
        tpu.wait_dma2 semaphore(%arg22 : memref<!tpu.dma_semaphore, #tpu.memory_space<semaphore_mem>>) src(%dma_wait3A_291 : memref<128xi32, #tpu.memory_space<hbm>>) dst(%arg13 : memref<128xi32, #tpu.memory_space<vmem>>)
        %dma_start3A_292 = arith.constant 0 : i32
        %dma_start3A_293 = tpu.memref_slice %arg2[%mul3A_0, %dma_start3A_292] : memref<20000x128xf32, #tpu.memory_space<hbm>> -> memref<10000x128xf32, #tpu.memory_space<hbm>>
        %dma_start3A_294 = arith.constant 0 : i32
        %dma_start3A_295 = arith.constant 0 : i32
        %dma_start3A_296 = tpu.memref_slice %dma_start3A_293[%dma_start3A_294, %dma_start3A_295] : memref<10000x128xf32, #tpu.memory_space<hbm>> -> memref<10000x128xf32, #tpu.memory_space<hbm>>
        tpu.enqueue_indirect_dma source(%dma_start3A_296 : memref<10000x128xf32, #tpu.memory_space<hbm>>) target(%arg19 : memref<128x128xf32, #tpu.memory_space<vmem>>) offsets(%arg7 : memref<128xi32, #tpu.memory_space<vmem>>) semaphore(%arg28 : memref<!tpu.dma_semaphore, #tpu.memory_space<semaphore_mem>>)
      } else {
      }
      %sub3A_278 = arith.constant 4 : i32
      %sub3A_279 = arith.subi %add3A_7, %sub3A_278 : i32
      %lt3A_280 = arith.cmpi slt, %add3A_258, %sub3A_279 : i32
      %convert_element_type3A_281 = arith.extui %lt3A_280 : i1 to i32
      %cond3A_282 = arith.constant 0 : i32
      %cond3A_283 = arith.cmpi ne, %convert_element_type3A_281, %cond3A_282 : i32
      scf.if %cond3A_283 {
        %add3A_284 = arith.constant 4 : i32
        %add3A_285 = arith.addi %add3A_258, %add3A_284 : i32
        %lt3A_286 = arith.constant 156 : i32
        %lt3A_287 = arith.cmpi slt, %add3A_285, %lt3A_286 : i32
        %mul3A_288 = arith.constant 156 : i32
        %mul3A_289 = arith.muli %arg1, %mul3A_288 : i32
        %add3A_290 = arith.addi %mul3A_289, %add3A_285 : i32
        %add3A_291 = arith.constant 2496 : i32
        %add3A_292 = arith.addi %add3A_291, %arg1 : i32
        %select_n3A_293 = arith.select %lt3A_287, %add3A_290, %add3A_292 : i32
        %mul3A_294 = arith.constant 128 : i32
        %mul3A_295 = arith.muli %select_n3A_293, %mul3A_294 : i32
        %dma_start3A_296 = tpu.memref_slice %arg3[%mul3A_295] : memref<640000xi32, #tpu.memory_space<hbm>> -> memref<128xi32, #tpu.memory_space<hbm>>
        %dma_start3A_297 = tpu.memref_slice %arg3[%mul3A_295] : memref<640000xi32, #tpu.memory_space<hbm>> -> memref<128xi32, #tpu.memory_space<hbm>>
        tpu.enqueue_dma source(%dma_start3A_297 : memref<128xi32, #tpu.memory_space<hbm>>) target(%arg9 : memref<128xi32, #tpu.memory_space<vmem>>) target_semaphore(%arg24 : memref<!tpu.dma_semaphore, #tpu.memory_space<semaphore_mem>>)
        %mul3A_298 = arith.constant 128 : i32
        %mul3A_299 = arith.muli %select_n3A_293, %mul3A_298 : i32
        %add3A_300 = arith.constant 320000 : i32
        %add3A_301 = arith.addi %add3A_300, %mul3A_299 : i32
        %dma_start3A_302 = tpu.memref_slice %arg3[%add3A_301] : memref<640000xi32, #tpu.memory_space<hbm>> -> memref<128xi32, #tpu.memory_space<hbm>>
        %dma_start3A_303 = tpu.memref_slice %arg3[%add3A_301] : memref<640000xi32, #tpu.memory_space<hbm>> -> memref<128xi32, #tpu.memory_space<hbm>>
        tpu.enqueue_dma source(%dma_start3A_303 : memref<128xi32, #tpu.memory_space<hbm>>) target(%arg15 : memref<128xi32, #tpu.memory_space<vmem>>) target_semaphore(%arg24 : memref<!tpu.dma_semaphore, #tpu.memory_space<semaphore_mem>>)
      } else {
      }
    }
    %scan3A_108 = arith.constant 27 : i32
    %barrier3A_109 = arith.constant 0 : index
    tpu.barrier barrier_id(%barrier3A_109)
    %mul3A_110 = arith.constant 624 : i32
    %mul3A_111 = arith.muli %arg1, %mul3A_110 : i32
    %mul3A_112 = arith.constant 10000 : i32
    %mul3A_113 = arith.muli %arg0, %mul3A_112 : i32
    %mul3A_114 = arith.constant 624 : i32
    %mul3A_115 = arith.muli %arg1, %mul3A_114 : i32
    %add3A_116 = arith.addi %mul3A_113, %mul3A_115 : i32
    "tpu.region"() ({
      %run_scoped3A = tpu.sem_alloc : memref<!tpu.dma_semaphore, #tpu.memory_space<semaphore_mem>>
      %dma_start3A_122 = arith.constant 0 : i32
      %dma_start3A_123 = tpu.memref_slice %arg5[%add3A_116, %dma_start3A_122] : memref<20000x128xf32, #tpu.memory_space<hbm>> -> memref<624x128xf32, #tpu.memory_space<hbm>>
      %dma_start3A_124 = arith.constant 0 : i32
      %dma_start3A_125 = tpu.memref_slice %arg33[%mul3A_111, %dma_start3A_124] : memref<10000x128xf32, #tpu.memory_space<vmem_shared>> -> memref<624x128xf32, #tpu.memory_space<vmem_shared>>
      tpu.enqueue_dma source(%dma_start3A_125 : memref<624x128xf32, #tpu.memory_space<vmem_shared>>) target(%dma_start3A_123 : memref<624x128xf32, #tpu.memory_space<hbm>>) target_semaphore(%run_scoped3A : memref<!tpu.dma_semaphore, #tpu.memory_space<semaphore_mem>>)
      %dma_wait3A_126 = arith.constant 0 : i32
      %dma_wait3A_127 = tpu.memref_slice %arg5[%add3A_116, %dma_wait3A_126] : memref<20000x128xf32, #tpu.memory_space<hbm>> -> memref<624x128xf32, #tpu.memory_space<hbm>>
      %dma_wait3A_128 = arith.constant 0 : i32
      %dma_wait3A_129 = tpu.memref_slice %arg33[%mul3A_111, %dma_wait3A_128] : memref<10000x128xf32, #tpu.memory_space<vmem_shared>> -> memref<624x128xf32, #tpu.memory_space<vmem_shared>>
      tpu.wait_dma2 semaphore(%run_scoped3A : memref<!tpu.dma_semaphore, #tpu.memory_space<semaphore_mem>>) src(%dma_wait3A_129 : memref<624x128xf32, #tpu.memory_space<vmem_shared>>) dst(%dma_wait3A_127 : memref<624x128xf32, #tpu.memory_space<hbm>>)
      tpu.yield
    }) : () -> ()
    %eq3A_117 = arith.constant 0 : i32
    %eq3A_118 = arith.cmpi eq, %arg1, %eq3A_117 : i32
    %convert_element_type3A_119 = arith.extui %eq3A_118 : i1 to i32
    %cond3A_120 = arith.constant 0 : i32
    %cond3A_121 = arith.cmpi ne, %convert_element_type3A_119, %cond3A_120 : i32
    scf.if %cond3A_121 {
      %mul3A_122 = arith.constant 10000 : i32
      %mul3A_123 = arith.muli %arg0, %mul3A_122 : i32
      %add3A_124 = arith.constant 9984 : i32
      %add3A_125 = arith.addi %mul3A_123, %add3A_124 : i32
      "tpu.region"() ({
        %run_scoped3A = tpu.sem_alloc : memref<!tpu.dma_semaphore, #tpu.memory_space<semaphore_mem>>
        %dma_start3A_126 = arith.constant 0 : i32
        %dma_start3A_127 = tpu.memref_slice %arg5[%add3A_125, %dma_start3A_126] : memref<20000x128xf32, #tpu.memory_space<hbm>> -> memref<16x128xf32, #tpu.memory_space<hbm>>
        %dma_start3A_128 = arith.constant 9984 : i32
        %dma_start3A_129 = arith.constant 0 : i32
        %dma_start3A_130 = tpu.memref_slice %arg33[%dma_start3A_128, %dma_start3A_129] : memref<10000x128xf32, #tpu.memory_space<vmem_shared>> -> memref<16x128xf32, #tpu.memory_space<vmem_shared>>
        tpu.enqueue_dma source(%dma_start3A_130 : memref<16x128xf32, #tpu.memory_space<vmem_shared>>) target(%dma_start3A_127 : memref<16x128xf32, #tpu.memory_space<hbm>>) target_semaphore(%run_scoped3A : memref<!tpu.dma_semaphore, #tpu.memory_space<semaphore_mem>>)
        %dma_wait3A_131 = arith.constant 0 : i32
        %dma_wait3A_132 = tpu.memref_slice %arg5[%add3A_125, %dma_wait3A_131] : memref<20000x128xf32, #tpu.memory_space<hbm>> -> memref<16x128xf32, #tpu.memory_space<hbm>>
        %dma_wait3A_133 = arith.constant 9984 : i32
        %dma_wait3A_134 = arith.constant 0 : i32
        %dma_wait3A_135 = tpu.memref_slice %arg33[%dma_wait3A_133, %dma_wait3A_134] : memref<10000x128xf32, #tpu.memory_space<vmem_shared>> -> memref<16x128xf32, #tpu.memory_space<vmem_shared>>
        tpu.wait_dma2 semaphore(%run_scoped3A : memref<!tpu.dma_semaphore, #tpu.memory_space<semaphore_mem>>) src(%dma_wait3A_135 : memref<16x128xf32, #tpu.memory_space<vmem_shared>>) dst(%dma_wait3A_132 : memref<16x128xf32, #tpu.memory_space<hbm>>)
        tpu.yield
      }) : () -> ()
    } else {
    }
    return
  }
}

module attributes {stable_mosaic.version = 14 : i64} {
  func.func @_mm_body(%arg0: i32, %arg1: memref<1x2000x128xf32, #tpu.memory_space<vmem>>, %arg2: memref<1x2000x128xf32, #tpu.memory_space<vmem>>, %arg3: memref<128x128xf32, #tpu.memory_space<vmem>>, %arg4: memref<2x2000x128xf32, #tpu.memory_space<vmem>>) attributes {dimension_semantics = [#tpu.dimension_semantics<arbitrary>], iteration_bounds = array<i64: 5>, scalar_prefetch = 0 : i64, scratch_operands = 0 : i64, tpu.core_type = #tpu.core_type<tc>, window_params = [{transform_indices = @transform_0, window_bounds = array<i64: 1, 2000, 128>}, {transform_indices = @transform_1, window_bounds = array<i64: 1, 2000, 128>}, {pipeline_mode = #tpu.pipeline_mode<synchronous>, transform_indices = @transform_2, window_bounds = array<i64: 128, 128>}, {transform_indices = @transform_3, window_bounds = array<i64: 2, 2000, 128>}]} {
    %get3A = arith.constant 0 : index
    %get3A_0 = arith.constant 0 : index
    %get3A_1 = arith.constant 0 : index
    %get3A_2 = vector.load %arg1[%get3A, %get3A_0, %get3A_1] : memref<1x2000x128xf32, #tpu.memory_space<vmem>>, vector<1x2000x128xf32>
    %get3A_3 = vector.shape_cast %get3A_2 : vector<1x2000x128xf32> to vector<2000x128xf32>
    %get3A_4 = arith.constant 0 : index
    %get3A_5 = arith.constant 0 : index
    %get3A_6 = vector.load %arg3[%get3A_4, %get3A_5] : memref<128x128xf32, #tpu.memory_space<vmem>>, vector<128x128xf32>
    %dot_general3A = arith.constant dense<0.000000e+00> : vector<2000x128xf32>
    %dot_general3A_7 = tpu.matmul %get3A_3, %get3A_6, %dot_general3A {dimension_numbers = #tpu.dot_dimension_numbers<[1], [0], [0], [1], [0, 0, 1, 1], [], []>, transpose_lhs_hint = false} : vector<2000x128xf32>, vector<128x128xf32>, vector<2000x128xf32> -> vector<2000x128xf32>
    %swap3A = arith.constant 0 : index
    %swap3A_8 = arith.constant 0 : index
    %swap3A_9 = arith.constant 0 : index
    %swap3A_10 = vector.load %arg4[%swap3A, %swap3A_8, %swap3A_9] : memref<2x2000x128xf32, #tpu.memory_space<vmem>>, vector<1x2000x128xf32>
    %swap3A_11 = vector.shape_cast %swap3A_10 : vector<1x2000x128xf32> to vector<2000x128xf32>
    %swap3A_12 = vector.shape_cast %dot_general3A_7 : vector<2000x128xf32> to vector<1x2000x128xf32>
    tpu.vector_store %arg4[%swap3A, %swap3A_8, %swap3A_9], %swap3A_12 {strides = array<i32>} : memref<2x2000x128xf32, #tpu.memory_space<vmem>>, vector<1x2000x128xf32>,
    %get3A_13 = arith.constant 0 : index
    %get3A_14 = arith.constant 0 : index
    %get3A_15 = arith.constant 0 : index
    %get3A_16 = vector.load %arg2[%get3A_13, %get3A_14, %get3A_15] : memref<1x2000x128xf32, #tpu.memory_space<vmem>>, vector<1x2000x128xf32>
    %get3A_17 = vector.shape_cast %get3A_16 : vector<1x2000x128xf32> to vector<2000x128xf32>
    %get3A_18 = arith.constant 0 : index
    %get3A_19 = arith.constant 0 : index
    %get3A_20 = vector.load %arg3[%get3A_18, %get3A_19] : memref<128x128xf32, #tpu.memory_space<vmem>>, vector<128x128xf32>
    %dot_general3A_21 = arith.constant dense<0.000000e+00> : vector<2000x128xf32>
    %dot_general3A_22 = tpu.matmul %get3A_17, %get3A_20, %dot_general3A_21 {dimension_numbers = #tpu.dot_dimension_numbers<[1], [0], [0], [1], [0, 0, 1, 1], [], []>, transpose_lhs_hint = false} : vector<2000x128xf32>, vector<128x128xf32>, vector<2000x128xf32> -> vector<2000x128xf32>
    %swap3A_23 = arith.constant 1 : index
    %swap3A_24 = arith.constant 0 : index
    %swap3A_25 = arith.constant 0 : index
    %swap3A_26 = vector.load %arg4[%swap3A_23, %swap3A_24, %swap3A_25] : memref<2x2000x128xf32, #tpu.memory_space<vmem>>, vector<1x2000x128xf32>
    %swap3A_27 = vector.shape_cast %swap3A_26 : vector<1x2000x128xf32> to vector<2000x128xf32>
    %swap3A_28 = vector.shape_cast %dot_general3A_22 : vector<2000x128xf32> to vector<1x2000x128xf32>
    tpu.vector_store %arg4[%swap3A_23, %swap3A_24, %swap3A_25], %swap3A_28 {strides = array<i32>} : memref<2x2000x128xf32, #tpu.memory_space<vmem>>, vector<1x2000x128xf32>,
    return
  }
  func.func @transform_0(%arg0: i32) -> (i32, i32, i32) {
    %c0_i32 = arith.constant 0 : i32
    %c0_i32_0 = arith.constant 0 : i32
    %c0_i32_1 = arith.constant 0 : i32
    return %c0_i32, %arg0, %c0_i32_0 : i32, i32, i32
  }
  func.func @transform_1(%arg0: i32) -> (i32, i32, i32) {
    %c0_i32 = arith.constant 0 : i32
    %c0_i32_0 = arith.constant 0 : i32
    %c0_i32_1 = arith.constant 0 : i32
    return %c0_i32, %arg0, %c0_i32_0 : i32, i32, i32
  }
  func.func @transform_2(%arg0: i32) -> (i32, i32) {
    %c0_i32 = arith.constant 0 : i32
    %c0_i32_0 = arith.constant 0 : i32
    %c0_i32_1 = arith.constant 0 : i32
    return %c0_i32, %c0_i32_0 : i32, i32
  }
  func.func @transform_3(%arg0: i32) -> (i32, i32, i32) {
    %c0_i32 = arith.constant 0 : i32
    %c0_i32_0 = arith.constant 0 : i32
    %c0_i32_1 = arith.constant 0 : i32
    return %c0_i32, %arg0, %c0_i32_0 : i32, i32, i32
  }
}

module attributes {stable_mosaic.version = 14 : i64} {
  func.func @_post_body(%arg0: i32, %arg1: memref<1x10000x128xf32, #tpu.memory_space<vmem>>, %arg2: memref<1x128xf32, #tpu.memory_space<vmem>>, %arg3: memref<1x1xf32, #tpu.memory_space<vmem>>, %arg4: memref<128x128xf32, #tpu.memory_space<vmem>>, %arg5: memref<1x1x10000xf32, #tpu.memory_space<vmem>>, %arg6: memref<1x10000x128xf32, #tpu.memory_space<vmem>>, %arg7: memref<1x1x10000xf32, #tpu.memory_space<vmem>>, %arg8: memref<1x128xf32, #tpu.memory_space<vmem>>) attributes {dimension_semantics = [#tpu.dimension_semantics<arbitrary>], iteration_bounds = array<i64: 2>, scalar_prefetch = 0 : i64, scratch_operands = 1 : i64, tpu.core_type = #tpu.core_type<tc>, window_params = [{transform_indices = @transform_0, window_bounds = array<i64: 1, 10000, 128>}, {pipeline_mode = #tpu.pipeline_mode<synchronous>, transform_indices = @transform_1, window_bounds = array<i64: 1, 128>}, {pipeline_mode = #tpu.pipeline_mode<synchronous>, transform_indices = @transform_2, window_bounds = array<i64: 1, 1>}, {pipeline_mode = #tpu.pipeline_mode<synchronous>, transform_indices = @transform_3, window_bounds = array<i64: 128, 128>}, {transform_indices = @transform_4, window_bounds = array<i64: 1, 1, 10000>}, {pipeline_mode = #tpu.pipeline_mode<synchronous>, transform_indices = @transform_5, window_bounds = array<i64: 1, 10000, 128>}, {transform_indices = @transform_6, window_bounds = array<i64: 1, 1, 10000>}]} {
    %get3A = arith.constant 0 : index
    %get3A_0 = arith.constant 0 : index
    %get3A_1 = arith.constant 0 : index
    %get3A_2 = vector.load %arg1[%get3A, %get3A_0, %get3A_1] : memref<1x10000x128xf32, #tpu.memory_space<vmem>>, vector<1x10000x128xf32>
    %get3A_3 = vector.shape_cast %get3A_2 : vector<1x10000x128xf32> to vector<10000x128xf32>
    %get3A_4 = arith.constant 0 : index
    %get3A_5 = arith.constant 0 : index
    %get3A_6 = vector.load %arg2[%get3A_4, %get3A_5] : memref<1x128xf32, #tpu.memory_space<vmem>>, vector<1x128xf32>
    %add3A = vector.broadcast %get3A_6 : vector<1x128xf32> to vector<10000x128xf32>
    %add3A_7 = arith.addf %get3A_3, %add3A : vector<10000x128xf32>
    %get3A_8 = arith.constant 0 : index
    %get3A_9 = arith.constant 0 : index
    %get3A_10 = vector.load %arg3[%get3A_8, %get3A_9] : memref<1x1xf32, #tpu.memory_space<vmem>>, vector<1x1xf32>
    %get3A_11 = vector.extract %get3A_10[0, 0] : f32 from vector<1x1xf32>
    %gt3A = arith.constant 0.000000e+00 : f32
    %gt3A_12 = vector.broadcast %gt3A : f32 to vector<10000x128xf32>
    %gt3A_13 = arith.cmpf ogt, %add3A_7, %gt3A_12 : vector<10000x128xf32>
    %mul3A = vector.broadcast %get3A_11 : f32 to vector<10000x128xf32>
    %mul3A_14 = arith.mulf %mul3A, %add3A_7 : vector<10000x128xf32>
    %select_n3A = arith.select %gt3A_13, %add3A_7, %mul3A_14 : vector<10000x128xi1>, vector<10000x128xf32>
    %eq3A = arith.constant 0 : i32
    %eq3A_15 = arith.cmpi eq, %arg0, %eq3A : i32
    %convert_element_type3A = arith.extui %eq3A_15 : i1 to i32
    %cond3A = arith.constant 0 : i32
    %cond3A_16 = arith.cmpi ne, %convert_element_type3A, %cond3A : i32
    scf.if %cond3A_16 {
      %swap3A_29 = arith.constant 0 : index
      %swap3A_30 = arith.constant 0 : index
      %swap3A_31 = arith.constant 0 : index
      %swap3A_32 = vector.load %arg6[%swap3A_29, %swap3A_30, %swap3A_31] : memref<1x10000x128xf32, #tpu.memory_space<vmem>>, vector<1x10000x128xf32>
      %swap3A_33 = vector.shape_cast %swap3A_32 : vector<1x10000x128xf32> to vector<10000x128xf32>
      %swap3A_34 = vector.shape_cast %select_n3A : vector<10000x128xf32> to vector<1x10000x128xf32>
      tpu.vector_store %arg6[%swap3A_29, %swap3A_30, %swap3A_31], %swap3A_34 {strides = array<i32>} : memref<1x10000x128xf32, #tpu.memory_space<vmem>>, vector<1x10000x128xf32>,
      %reduce_sum3A = arith.constant dense<0.000000e+00> : vector<128xf32>
      %reduce_sum3A_35 = vector.multi_reduction <add>, %select_n3A, %reduce_sum3A [0] : vector<10000x128xf32> to vector<128xf32>
      %broadcast_in_dim3A_36 = vector.shape_cast %reduce_sum3A_35 : vector<128xf32> to vector<1x128xf32>
      %mul3A_37 = arith.constant 9.99999974E-5 : f32
      %mul3A_38 = vector.broadcast %mul3A_37 : f32 to vector<1x128xf32>
      %mul3A_39 = arith.mulf %broadcast_in_dim3A_36, %mul3A_38 : vector<1x128xf32>
      %logistic3A = arith.negf %mul3A_39 : vector<1x128xf32>
      %logistic3A_40 = math.exp %logistic3A : vector<1x128xf32>
      %logistic3A_41 = arith.constant 1.000000e+00 : f32
      %logistic3A_42 = vector.broadcast %logistic3A_41 : f32 to vector<1x128xf32>
      %logistic3A_43 = arith.addf %logistic3A_42, %logistic3A_40 : vector<1x128xf32>
      %logistic3A_44 = arith.divf %logistic3A_42, %logistic3A_43 : vector<1x128xf32>
      %get3A_45 = arith.constant 0 : index
      %get3A_46 = arith.constant 0 : index
      %get3A_47 = vector.load %arg4[%get3A_45, %get3A_46] : memref<128x128xf32, #tpu.memory_space<vmem>>, vector<128x128xf32>
      %dot_general3A_48 = arith.constant dense<0.000000e+00> : vector<1x128xf32>
      %dot_general3A_49 = tpu.matmul %logistic3A_44, %get3A_47, %dot_general3A_48 {dimension_numbers = #tpu.dot_dimension_numbers<[1], [0], [0], [1], [0, 0, 1, 1], [], []>, transpose_lhs_hint = false} : vector<1x128xf32>, vector<128x128xf32>, vector<1x128xf32> -> vector<1x128xf32>
      %swap3A_50 = arith.constant 0 : index
      %swap3A_51 = arith.constant 0 : index
      %swap3A_52 = vector.load %arg8[%swap3A_50, %swap3A_51] : memref<1x128xf32, #tpu.memory_space<vmem>>, vector<1x128xf32>
      tpu.vector_store %arg8[%swap3A_50, %swap3A_51], %dot_general3A_49 {strides = array<i32>} : memref<1x128xf32, #tpu.memory_space<vmem>>, vector<1x128xf32>,
    } else {
    }
    %get3A_17 = arith.constant 0 : index
    %get3A_18 = arith.constant 0 : index
    %get3A_19 = vector.load %arg8[%get3A_17, %get3A_18] : memref<1x128xf32, #tpu.memory_space<vmem>>, vector<1x128xf32>
    %dot_general3A = arith.constant dense<0.000000e+00> : vector<1x10000xf32>
    %dot_general3A_20 = tpu.matmul %get3A_19, %select_n3A, %dot_general3A {dimension_numbers = #tpu.dot_dimension_numbers<[1], [1], [0], [0], [0, 0, 1, 0], [], []>, precision = #tpu.contract_precision<fp32>, transpose_lhs_hint = false} : vector<1x128xf32>, vector<10000x128xf32>, vector<1x10000xf32> -> vector<1x10000xf32>
    %broadcast_in_dim3A = vector.shape_cast %dot_general3A_20 : vector<1x10000xf32> to vector<1x1x10000xf32>
    %get3A_21 = arith.constant 0 : index
    %get3A_22 = arith.constant 0 : index
    %get3A_23 = arith.constant 0 : index
    %get3A_24 = vector.load %arg5[%get3A_21, %get3A_22, %get3A_23] : memref<1x1x10000xf32, #tpu.memory_space<vmem>>, vector<1x1x10000xf32>
    %add3A_25 = arith.addf %broadcast_in_dim3A, %get3A_24 : vector<1x1x10000xf32>
    %swap3A = arith.constant 0 : index
    %swap3A_26 = arith.constant 0 : index
    %swap3A_27 = arith.constant 0 : index
    %swap3A_28 = vector.load %arg7[%swap3A, %swap3A_26, %swap3A_27] : memref<1x1x10000xf32, #tpu.memory_space<vmem>>, vector<1x1x10000xf32>
    tpu.vector_store %arg7[%swap3A, %swap3A_26, %swap3A_27], %add3A_25 {strides = array<i32>} : memref<1x1x10000xf32, #tpu.memory_space<vmem>>, vector<1x1x10000xf32>,
    return
  }
  func.func @transform_0(%arg0: i32) -> (i32, i32, i32) {
    %c0_i32 = arith.constant 0 : i32
    %c0_i32_0 = arith.constant 0 : i32
    %c0_i32_1 = arith.constant 0 : i32
    return %arg0, %c0_i32, %c0_i32_0 : i32, i32, i32
  }
  func.func @transform_1(%arg0: i32) -> (i32, i32) {
    %c0_i32 = arith.constant 0 : i32
    %c0_i32_0 = arith.constant 0 : i32
    %c0_i32_1 = arith.constant 0 : i32
    return %c0_i32, %c0_i32_0 : i32, i32
  }
  func.func @transform_2(%arg0: i32) -> (i32, i32) {
    %c0_i32 = arith.constant 0 : i32
    %c0_i32_0 = arith.constant 0 : i32
    %c0_i32_1 = arith.constant 0 : i32
    return %c0_i32, %c0_i32_0 : i32, i32
  }
  func.func @transform_3(%arg0: i32) -> (i32, i32) {
    %c0_i32 = arith.constant 0 : i32
    %c0_i32_0 = arith.constant 0 : i32
    %c0_i32_1 = arith.constant 0 : i32
    return %c0_i32, %c0_i32_0 : i32, i32
  }
  func.func @transform_4(%arg0: i32) -> (i32, i32, i32) {
    %c0_i32 = arith.constant 0 : i32
    %c0_i32_0 = arith.constant 0 : i32
    %c0_i32_1 = arith.constant 0 : i32
    return %arg0, %c0_i32, %c0_i32_0 : i32, i32, i32
  }
  func.func @transform_5(%arg0: i32) -> (i32, i32, i32) {
    %c0_i32 = arith.constant 0 : i32
    %c0_i32_0 = arith.constant 0 : i32
    %c0_i32_1 = arith.constant 0 : i32
    %c0_i32_2 = arith.constant 0 : i32
    return %c0_i32, %c0_i32_0, %c0_i32_1 : i32, i32, i32
  }
  func.func @transform_6(%arg0: i32) -> (i32, i32, i32) {
    %c0_i32 = arith.constant 0 : i32
    %c0_i32_0 = arith.constant 0 : i32
    %c0_i32_1 = arith.constant 0 : i32
    return %arg0, %c0_i32, %c0_i32_0 : i32, i32, i32
  }
}

</mosaic_0001>

<sc_bundles>
// kernel: kernel.5.cloned.1.call-start
scs
__scs_entry_jumppad:
0x0: {  	(pc) =	sbr.rel $0x88, $3  }
0x1: {  	(tag) =	ssettag $0x0;
	lr =	simm.s32 $0x1  }
0x2: {  	[smem:$0x3F97] =	sst lr;
	_ =	strace $0xD0000000  }
0x3: {  	_ = 	snop  }
0x4: {  	_ = 	snop  }
0x5: {  	_ = 	snop  }
0x6: {  	_ = 	snop  }
0x7: {  	_ = 	snop  }
__scs_overlays_trampoline_lowered:
0x8: {  	[smem:$0x3FA6] =	sst s0  }
0x9: {  	[smem:$0x3FA7] =	sst s1  }
0xa: {  	[smem:$0x3FA8] =	sst s2  }
0xb: {  	[smem:$0x3FA9] =	sst s3  }
0xc: {  	[smem:$0x3FAA] =	sst s4  }
0xd: {  	[smem:$0x3FAB] =	sst s5  }
0xe: {  	[smem:$0x3FAC] =	sst s6  }
0xf: {  	[smem:$0x3FAD] =	sst s7  }
0x10: {  	[smem:$0x3FAE] =	sst s8  }
0x11: {  	[smem:$0x3FAF] =	sst s9;
	s0 =	simm.s32 @!p0 $0x0  }
0x12: {  	s1 =	sld [smem:$0x3F95];
	s0 =	simm.s32 @p0 $0x1  }
0x13: {  	[smem:$0x3FB0] =	sst s0;
	s0 =	simm.s32 @!p1 $0x0  }
0x14: {  	s2 =	sld [smem:$0x3F94];
	s0 =	simm.s32 @p1 $0x1  }
0x15: {  	[smem:$0x3FB1] =	sst s0;
	s0 =	simm.s32 @!p2 $0x0  }
0x16: {  	s3 =	sld [smem:$0x3FDB];
	s0 =	simm.s32 @p2 $0x1  }
0x17: {  	s4 =	simm.s32 $0x1BF5;
	[smem:$0x3FB3] =	sst s0  }
0x18: {  	s0 =	sld [smem:$0x3F96];
	_ =	swait.ge [sflag:s4], $0x0  }
0x19: {  	s7 =	sld [smem:$0x3F97]  }
0x1a: {  	s8 =	sadd.s32 $0xFFFFE003, lr  }
0x1b: {  	s9 =	sadd.s32 $0xFFFFFEF7, lr;
	s5 =	simm.s32 $0xFFFFFFFF;
	p2 =	slt.u32 s8, $0xFFFFF086  }
0x1c: {  	p1 =	slt.u32 s9, $0xF7A;
	s5 =	simm.s32 @!p2 $0x0  }
0x1d: {  	s5 =	simm.s32 @p1 $0x1;
	p0 =	seq.s32 s7, s2  }
0x1e: {  	s7 =	smul.u32 @!p0 $0xF7A, s2;
	p2 =	seq.s32 @!p0 s5, $0x0  }
0x1f: {  	s9 =	smul.u32 $0xF7A, s1;
	s8 =	simm.s32 @!p0 $0x1BF5;
	p2 =	por !p2, p0  }
0x20: {  	[sflag:s8] =	ssyncset.s32 @!p0 $0xFFFFF086;
	s6 =	sadd.s32 @!p0 s3, s7;
	s7 =	simm.s32 @!p0 $0x108  }
0x21: {  	s3 =	sadd.s32 s3, s9;
	s6 =	sadd.s32 @!p0 $0x88, s6;
	s7 =	simm.s32 @p2 $0x1082  }
0x22: {  	[simem:s7], [sflag:s8] =	dma.local @!p0 [hbm:s6], $0xF7A  }
0x23: {  	s9 =	sor.u32 $0xD0000000, s2;
	s6 =	simm.s32 $0x108;
	_ =	swait.ge @!p0 [sflag:s8], $0x0  }
0x24: {  	s3 =	sadd.s32 $0x88, s3;
	s6 =	simm.s32 @!p1 $0x1082;
	[sflag:s4] =	ssyncset.s32 $0xFFFFF086  }
0x25: {  	[simem:s6], [sflag:s4] =	dma.local [hbm:s3], $0xF7A  }
0x26: {  	[smem:$0x3F97] =	sst s1;
	(tag) =	ssettag s2;
	_ =	strace s9  }
0x27: {  	s1 =	sld [smem:$0x3FA7]  }
0x28: {  	s2 =	sld [smem:$0x3FA8]  }
0x29: {  	s4 =	sld [smem:$0x3FAA]  }
0x2a: {  	p0 =	seq.s32 s5, $0x0;
	s5 =	sld [smem:$0x3FAB]  }
0x2b: {  	s6 =	sld [smem:$0x3FAC]  }
0x2c: {  	s7 =	sld [smem:$0x3FAD]  }
0x2d: {  	s3 =	simm.s32 $0x108;
	s8 =	sld [smem:$0x3FAE]  }
0x2e: {  	s3 =	simm.s32 @!p0 $0x1082;
	s9 =	sld [smem:$0x3FAF]  }
0x2f: {  	lr =	sadd.s32 s0, s3;
	s0 =	sld [smem:$0x3FA6]  }
0x30: {  	s3 =	sld [smem:$0x3FA9]  }
0x31: {  	[smem:$0x3FB2] =	sst s10  }
0x32: {  	s10 =	sld [smem:$0x3FB0];
	_ =	sdelay $0x3  }
0x33: {  	p0 =	seq.s32 s10, $0x1;
	s10 =	sld [smem:$0x3FB2];
	_ =	sdelay $0x3  }
0x34: {  	[smem:$0x3FB2] =	sst s10  }
0x35: {  	s10 =	sld [smem:$0x3FB1];
	_ =	sdelay $0x3  }
0x36: {  	p1 =	seq.s32 s10, $0x1;
	s10 =	sld [smem:$0x3FB2];
	_ =	sdelay $0x3  }
0x37: {  	[smem:$0x3FB2] =	sst s10  }
0x38: {  	s10 =	sld [smem:$0x3FB3]  }
0x39: {  	_ = 	snop;
	(pc) =	sbr.ind lr, $3  }
0x3a: {  	_ = 	snop  }
0x3b: {  	_ = 	snop  }
0x3c: {  	p2 =	seq.s32 s10, $0x1;
	s10 =	sld [smem:$0x3FB2]  }
0x3d: {  	_ =	shalt  }
0x3e: {  	_ =	shalt  }
0x3f: {  	_ =	shalt  }
0x40: {  	_ =	shalt  }
0x41: {  	_ =	shalt  }
0x42: {  	_ =	shalt  }
0x43: {  	_ =	shalt  }
0x44: {  	_ =	shalt  }
0x45: {  	_ =	shalt  }
0x46: {  	_ =	shalt  }
0x47: {  	_ =	shalt  }
0x48: {  	_ =	shalt  }
0x49: {  	_ =	shalt  }
0x4a: {  	_ =	shalt  }
0x4b: {  	_ =	shalt  }
0x4c: {  	_ =	shalt  }
0x4d: {  	_ =	shalt  }
0x4e: {  	_ =	shalt  }
0x4f: {  	_ =	shalt  }
0x50: {  	_ =	shalt  }
0x51: {  	_ =	shalt  }
0x52: {  	_ =	shalt  }
0x53: {  	_ =	shalt  }
0x54: {  	_ =	shalt  }
0x55: {  	_ =	shalt  }
0x56: {  	_ =	shalt  }
0x57: {  	_ =	shalt  }
0x58: {  	_ =	shalt  }
0x59: {  	_ =	shalt  }
0x5a: {  	_ =	shalt  }
0x5b: {  	_ =	shalt  }
0x5c: {  	_ =	shalt  }
0x5d: {  	_ =	shalt  }
0x5e: {  	_ =	shalt  }
0x5f: {  	_ =	shalt  }
0x60: {  	_ =	shalt  }
0x61: {  	_ =	shalt  }
0x62: {  	_ =	shalt  }
0x63: {  	_ =	shalt  }
0x64: {  	_ =	shalt  }
0x65: {  	_ =	shalt  }
0x66: {  	_ =	shalt  }
0x67: {  	_ =	shalt  }
0x68: {  	_ =	shalt  }
0x69: {  	_ =	shalt  }
0x6a: {  	_ =	shalt  }
0x6b: {  	_ =	shalt  }
0x6c: {  	_ =	shalt  }
0x6d: {  	_ =	shalt  }
0x6e: {  	_ =	shalt  }
0x6f: {  	_ =	shalt  }
0x70: {  	_ =	shalt  }
0x71: {  	_ =	shalt  }
0x72: {  	_ =	shalt  }
0x73: {  	_ =	shalt  }
0x74: {  	_ =	shalt  }
0x75: {  	_ =	shalt  }
0x76: {  	_ =	shalt  }
0x77: {  	_ =	shalt  }
0x78: {  	_ =	shalt  }
0x79: {  	_ =	shalt  }
0x7a: {  	_ =	shalt  }
0x7b: {  	_ =	shalt  }
0x7c: {  	_ =	shalt  }
0x7d: {  	_ =	shalt  }
0x7e: {  	_ =	shalt  }
0x7f: {  	_ =	shalt  }
0x80: {  	_ =	shalt  }
0x81: {  	_ =	shalt  }
0x82: {  	_ =	shalt  }
0x83: {  	_ =	shalt  }
0x84: {  	_ =	shalt  }
0x85: {  	_ =	shalt  }
0x86: {  	_ =	shalt  }
0x87: {  	_ =	shalt  }
.Lfunc_end0:
.L_simem_size_0:
called_computation_lowered:
.L_overlay_start_0:
0x88: {  	s2 =	sld [smem:$0x3FD9]  }
0x89: {  	s3 =	sld [smem:$0x3FFE];
	_ =	sdelay $0x1  }
0x8a: {  	s1 =	srdreg.scid  }
0x8b: {  	s0 =	sand.u32 $0x1, s1  }
0x8c: {  	s14 =	sshll.u32 s0, $0xA;
	s2 =	sadd.s32 s3, s2  }
0x8d: {  	s2 =	sadd.s32 s2, s14  }
0x8e: {  	[smem:$0x3FBE] =	sst s2  }
0x8f: {  	_ = 	snop  }
0x90: {  	s2 =	sld [smem:$0x3FD0];
	_ =	sdelay $0x2  }
0x91: {  	s15 =	simm.s32 $0xA;
	s4 =	simm.s32 $0x10  }
0x92: {  	[smem:s4], [sflag:s15] =	dma.local [hbm:s2], $0x1  }
0x93: {  	_ =	swait.eq [sflag:s15], $0x1  }
0x94: {  	[sflag:s15] =	ssyncset.done $0x0  }
0x95: {  	[sflag:s15] =	ssyncadd.s32 $0xFFFFFFFF  }
0x96: {  	s16 =	sld [smem:$0x11];
	(tm) =	ssettm $0x1  }
0x97: {  	s17 =	sld [smem:$0x3FFB];
	_ =	sdelay $0x3  }
0x98: {  	_ =	strace s17  }
0x99: {  	s3 =	sld [smem:$0x3FFC];
	_ =	sdelay $0x3  }
0x9a: {  	_ =	strace s3  }
0x9b: {  	s3 =	sld [smem:$0x3FFD];
	_ =	sdelay $0x3  }
0x9c: {  	_ =	strace s3  }
0x9d: {  	_ =	strace $0x8FFFFFFF  }
0x9e: {  	s18 =	sld [smem:$0x3FDB];
	_ =	sdelay $0x1  }
0x9f: {  	s19 =	simm.s32 $_scs_section_size  }
0xa0: {  	s5 =	simm.s32 $_size__tile_overlayer_lowered;
	s6 =	simm.s32 $_tile_overlayer_lowered  }
0xa1: {  	s22 =	simm.s32 $0x1BFF;
	s21 =	sshll.u32 s6, $0x1;
	s3 =	sadd.s32 s19, s18  }
0xa2: {  	s7 =	simm.s32 $0x0;
	s20 =	sshll.u32 s5, $0x1;
	s5 =	sadd.s32 s21, s3  }
0xa3: {  	[timem:s7], [sflag:s22] =	dma.local [hbm:s5], s20  }
0xa4: {  	_ =	swait.ge [sflag:s22], s20  }
0xa5: {  	s4 =	ssub.s32 $0x0, s20;
	[sflag:s22] =	ssyncset.done $0x0  }
0xa6: {  	[sflag:s22] =	ssyncadd.s32 s4;
	_ =	sdelay $0x1  }
0xa7: {  	s23 =	simm.s32 $0x1B8B  }
0xa8: {  	_ =	swait.ge [sflag:s23], $0x1  }
0xa9: {  	[sflag:s23] =	ssyncset.done $0x0  }
0xaa: {  	s25 =	simm.s32 $0x1B8E;
	s24 =	sld [smem:$0x3FFE];
	[sflag:s23] =	ssyncadd.s32 $0xFFFFFFFF  }
0xab: {  	s26 =	simm.s32 $execute0_lowered;
	[smem:$0x3FD2] =	sst s25  }
0xac: {  	s5 =	sshll.u32 s26, $0x1;
	_ =	strace $0x80000046;
	[dreg:$0x1] =	wrdreg $0xFFFFFFFF  }
0xad: {  	s28 =	simm.s32 $_size_execute0_lowered;
	s3 =	sadd.s32 s3, s5;
	[dreg:$0x0] =	wrdreg $0x0  }
0xae: {  	s5 =	sshll.u32 s28, $0x1;
	[dreg:$0x2] =	wrdreg s3  }
0xaf: {  	[dreg:$0x3] =	wrdreg s5  }
0xb0: {  	[dreg:$0x4] =	wrdreg $0xC0  }
0xb1: {  	_ =	task [dreg:s7], $0x5FFFF  }
0xb2: {  	[dreg:$0x1] =	wrdreg $0xFFFFFFFF  }
0xb3: {  	[dreg:$0x0] =	wrdreg $0x60  }
0xb4: {  	[dreg:$0x2] =	wrdreg s24  }
0xb5: {  	[dreg:$0x3] =	wrdreg s16  }
0xb6: {  	[dreg:$0x4] =	wrdreg $0xC6000  }
0xb7: {  	[dreg:$0x5] =	wrdreg $0x9  }
0xb8: {  	_ =	task.clear_ibuf [dreg:s7], $0x6FFFF;
	_ =	strace $0x90000046  }
0xb9: {  	s29 =	simm.s32 $0x9;
	_ =	strace $0x80000048  }
0xba: {  	_ =	swait.ge [sflag:s29], $0x1  }
0xbb: {  	[sflag:s29] =	ssyncadd.s32 $0xFFFFFFFF  }
0xbc: {  	_ =	strace $0x90000048  }
0xbd: {  	_ =	sfence  }
0xbe: {  	s30 =	sld [smem:$0x0];
	_ =	sdelay $0x2  }
0xbf: {  	s31 =	sshll.u32 s1, $0xD;
	s1 =	sshrl.u32 s1, $0x2  }
0xc0: {  	s3 =	sand.u32 $0x4000, s31;
	s1 =	sadd.s32 s1, s30  }
0xc1: {  	s0 =	sor.u32 s3, s0;
	s1 =	sshll.u32 s1, $0x11  }
0xc2: {  	s0 =	sor.u32 s1, s0  }
0xc3: {  	s0 =	sadd.s32 $0x8F2B, s0  }
0xc4: {  	[sflag:s0] =	ssyncadd.remote.s32 $0x1  }
0xc5: {  	_ =	sfence.sel $0xFFFF  }
0xc6: {  	[dreg:$0x0] =	wrdreg $0xFFFFFFFF;
	(pc) =	sbr.abs _section_cstart, $3  }
0xc7: {  	[dreg:$0x1] =	wrdreg $0xFFFFFFFF  }
0xc8: {  	_ =	task.clear_ibuf [dreg:s7], $0x2FFFF;
	_ =	strace $0x9FFFFFFF  }
0xc9: {  	(tm) =	ssettm $0x7FFFFFFF  }
tec
execute0_lowered:
.L_overlay_start_1:
0x0: {  	(tag) =	ssettag $0x1  }
0x1: {  	s0 =	rddreg [dreg:$0x0]  }
0x2: {  	s1 =	rddreg [dreg:$0x1]  }
0x3: {  	s2 =	rddreg [dreg:$0x2];
	s4 =	srdreg.scid  }
0x4: {  	s3 =	simm.s32 $0x0;
	s7 =	stileid.u32;
	s16 =	simm.s32 $0x9E  }
0x5: {  	s19 =	simm.s32 $0x9B;
	s31 =	simm.s32 $0x0;
	s8 =	smul.u32 $0x4E000, s7  }
0x6: {  	s4 =	sand.u32 $0x1, s4;
	[smem:$0x7FF] =	sst s3;
	s22 =	smul.u32 $0x4E00, s7  }
0x7: {  	s10 =	sadd.s32 $0x4F600, s0;
	s12 =	smul.u32 $0x2700, s7;
	s23 =	sshll.u32 s7, $0x6  }
0x8: {  	s11 =	sadd.s32 $0x138000, s2;
	p0 =	slt.u32 s7, $0x4;
	p1 =	sne.s32 s7, $0x0  }
0x9: {  	s5 =	smul.u32 $0x27100, s4;
	_ =	strace $0x80000047;
	[dreg:$0x4] =	wrdreg s10  }
0xa: {  	s6 =	ssub.s32 $0x2, s4;
	[dreg:$0x6] =	wrdreg s11;
	s4 =	smul.u32 $0x138800, s4  }
0xb: {  	s16 =	simm.s32 @!p0 $0x9D;
	s19 =	simm.s32 @!p0 $0x9A;
	s20 =	sshrl.u32 s6, $0x1  }
0xc: {  	s21 =	sshrl.u32 s8, $0x2;
	s24 =	sshrl.u32 s22, $0x3;
	s8 =	simm.s32 $0x9D  }
0xd: {  	s9 =	sadd.s32 s5, s0;
	s10 =	ssub.s32 s6, s20;
	s6 =	sadd.s32 s21, s2  }
0xe: {  	s0 =	sadd.s32 $0x51E00, s0;
	s13 =	sadd.s32 s1, s24;
	[dreg:$0x5] =	wrdreg s6  }
0xf: {  	s8 =	simm.s32 @!p0 $0x9C;
	s11 =	sadd.s32 $0x9C40, s13;
	[dreg:$0x7] =	wrdreg s13  }
0x10: {  	s5 =	sadd.s32 s12, s5;
	s14 =	sadd.s32 $0x10, s13;
	[dreg:$0x8] =	wrdreg s11  }
0x11: {  	s4 =	sshrl.u32 s4, $0x3;
	s25 =	sadd.s32 $0x9C50, s13;
	[dreg:$0x9] =	wrdreg s14  }
0x12: {  	s21 =	simm.s32 $0x99;
	s26 =	sadd.s32 $0x20, s13;
	[dreg:$0xa] =	wrdreg s25  }
0x13: {  	s6 =	sor.u32 $0x1C0D, s23;
	s28 =	sadd.s32 $0x9C60, s13;
	[dreg:$0xb] =	wrdreg s26  }
0x14: {  	s29 =	sadd.s32 $0x30, s13;
	s13 =	sadd.s32 $0x9C70, s13;
	[dreg:$0xc] =	wrdreg s28  }
0x15: {  	s5 =	sadd.s32 s0, s5;
	s4 =	sadd.s32 s0, s4;
	[dreg:$0xd] =	wrdreg s29  }
0x16: {  	s22 =	sadd.s32 $0x1400, s9;
	s21 =	simm.s32 @!p0 $0x98;
	[dreg:$0xe] =	wrdreg s13  }
0x17: {  	s0 =	sor.u32 $0x9C0, s7;
	[dreg:$0xf] =	wrdreg s5;
	s4 =	sadd.s32 $0x27000, s4  }
0x18: {  	s30 =	smax.u32 s10, $0x1;
	[dreg:$0x10] =	wrdreg s4;
	s4 =	simm.s32 @!p1 $0x0  }
0x19: {  	s11 =	smul.u32 $0x9C, s7;
	[dreg:$0x11] =	wrdreg s30;
	s4 =	simm.s32 @p1 $0x1  }
0x1a: {  	s26 =	sadd.s32 $0x9C40, s1;
	s7 =	simm.s32 $0xD;
	[smem:$0x7FD] =	sst s4  }
.LBB2_1:
0x1b: {  	s4 =	rddreg [dreg:$0x5]  }
0x1c: {  	s5 =	sshrl.u32 s4, $0x3;
	s4 =	rddreg [dreg:$0x4]  }
0x1d: {  	[dreg:$0x12] =	wrdreg s5  }
0x1e: {  	[spmem:s5], [sflag:s6] =	dma.local [hbm:s4], $0x2700  }
0x1f: {  	_ =	swait.ge [sflag:s7], $0x2700  }
0x20: {  	s5 =	rddreg [dreg:$0x6]  }
0x21: {  	[sflag:s7] =	ssyncset.done $0x0;
	s5 =	sshrl.u32 @!p1 s5, $0x3  }
0x22: {  	[sflag:s7] =	ssyncadd.s32 $0xFFFFD900;
	[dreg:$0x13] =	wrdreg s5  }
0x23: {  	[spmem:s5], [sflag:s6] =	dma.local @!p1 [hbm:s4], $0x100  }
0x24: {  	s4 =	simm.s32 @!p1 $0xD  }
0x25: {  	_ =	swait.ge @!p1 [sflag:s4], $0x100  }
0x26: {  	[sflag:s4] =	ssyncset.done @!p1 $0x0  }
0x27: {  	[sflag:s4] =	ssyncadd.s32 @!p1 $0xFFFFFF00  }
0x28: {  	[bflag:$0x0] =	sbarrier.arrive $0xFFFF  }
0x29: {  	s25 =	rddreg [dreg:$0x7]  }
0x2a: {  	[tilespmem:s3], [sflag:$0x1] =	stream.linear.gather [hbm4b:s25+s3], $0x80, $0x38;
	[tilespmem:$0x1FE80] =	vst v63  }
0x2b: {  	s29 =	simm.s32 $0x300;
	s28 =	rddreg [dreg:$0x8]  }
0x2c: {  	[tilespmem:s29], [sflag:$0x1] =	stream.linear.gather [hbm4b:s28+s3], $0x80, $0x38;
	[tilespmem:$0x1FE80] =	vst v63  }
0x2d: {  	s5 =	simm.s32 $0x80;
	s7 =	rddreg [dreg:$0x9]  }
0x2e: {  	[tilespmem:s5], [sflag:$0x2] =	stream.linear.gather [hbm4b:s7+s3], $0x80, $0x38;
	[tilespmem:$0x1FE80] =	vst v63  }
0x2f: {  	s10 =	simm.s32 $0x380;
	s9 =	rddreg [dreg:$0xa]  }
0x30: {  	[tilespmem:s10], [sflag:$0x2] =	stream.linear.gather [hbm4b:s9+s3], $0x80, $0x38;
	[tilespmem:$0x1FE80] =	vst v63  }
0x31: {  	s13 =	simm.s32 $0x100;
	s12 =	rddreg [dreg:$0xb]  }
0x32: {  	[tilespmem:s13], [sflag:$0x3] =	stream.linear.gather [hbm4b:s12+s3], $0x80, $0x38;
	[tilespmem:$0x1FE80] =	vst v63  }
0x33: {  	s15 =	simm.s32 $0x400;
	s14 =	rddreg [dreg:$0xc]  }
0x34: {  	[tilespmem:s15], [sflag:$0x3] =	stream.linear.gather [hbm4b:s14+s3], $0x80, $0x38;
	[tilespmem:$0x1FE80] =	vst v63  }
0x35: {  	s18 =	simm.s32 $0x180;
	s17 =	rddreg [dreg:$0xd]  }
0x36: {  	[tilespmem:s18], [sflag:$0x4] =	stream.linear.gather [hbm4b:s17+s3], $0x80, $0x38;
	[tilespmem:$0x1FE80] =	vst v63  }
0x37: {  	s23 =	simm.s32 $0x480;
	s24 =	simm.s32 $0x1;
	s20 =	rddreg [dreg:$0xe]  }
0x38: {  	[tilespmem:s23], [sflag:$0x4] =	stream.linear.gather [hbm4b:s20+s3], $0x80, $0x38;
	[tilespmem:$0x1FE80] =	vst v63  }
0x39: {  	_ =	swait.ge [sflag:s24], $0x80  }
0x3a: {  	[sflag:s24] =	ssyncset.done $0x0  }
0x3b: {  	[sflag:s24] =	ssyncadd.s32 $0xFFFFFF80  }
0x3c: {  	_ =	swait.ge [sflag:s24], $0x80  }
0x3d: {  	[sflag:s24] =	ssyncset.done $0x0  }
0x3e: {  	s25 =	simm.s32 $0x600;
	s28 =	simm.s32 $0x2;
	[sflag:s24] =	ssyncadd.s32 $0xFFFFFF80  }
0x3f: {  	[tilespmem:s25], [sflag:$0x7] =	stream.indirect.gather [hbm4b:s22+s5], $0x80, s3, s5, $0xb8;
	[tilespmem:$0x1FE80] =	vst v63  }
0x40: {  	_ =	swait.ge [sflag:s28], $0x80  }
0x41: {  	[sflag:s28] =	ssyncset.done $0x0  }
0x42: {  	[sflag:s28] =	ssyncadd.s32 $0xFFFFFF80  }
0x43: {  	_ =	swait.ge [sflag:s28], $0x80  }
0x44: {  	p0 =	sle.u32 s8, $0x0;
	[sflag:s28] =	ssyncset.done $0x0  }
0x45: {  	s4 =	simm.s32 @!p0 $0x7;
	s29 =	simm.s32 $0x4600;
	[sflag:s28] =	ssyncadd.s32 $0xFFFFFF80  }
0x46: {  	[tilespmem:s29], [sflag:$0x8] =	stream.indirect.gather [hbm4b:s22+s5], $0x80, s5, s5, $0xb8;
	[tilespmem:$0x1FE80] =	vst v63  }
0x47: {  	p2 =	por $0x1, $0x1;
	_ =	swait.ge @!p0 [sflag:s4], $0x4000  }
0x48: {  	s9 =	simm.s32 @!p2 $0xC;
	s10 =	simm.s32 @!p0 $0x300;
	[sflag:s4] =	ssyncset.done @!p0 $0x0  }
0x49: {  	s12 =	simm.s32 @!p0 $0x600;
	s13 =	simm.s32 @!p0 $0x80;
	[sflag:s4] =	ssyncadd.s32 @!p0 $0xFFFFC000  }
0x4a: {  	[spmem:s2] =	stream.indirect.scatter.add.f32 @!p0 [tilespmem:s12], [sflag:$0xA], $0x80, s10, s13, $0xb8;
	[tilespmem:$0x1FE80] =	vst v63  }
0x4b: {  	_ =	swait.ge @!p2 [sflag:s9], $0x4000  }
0x4c: {  	p1 =	sle.u32 s19, $0x0;
	p0 =	sle.u32 s21, $0x0;
	[sflag:s9] =	ssyncset.done @!p2 $0x0  }
0x4d: {  	s4 =	simm.s32 @!p1 $0x3;
	s10 =	sadd.s32 @!p0 $0x0, s11;
	[sflag:s9] =	ssyncadd.s32 @!p2 $0xFFFFC000  }
0x4e: {  	p3 =	por @!p0 $0x0, $0x0;
	s9 =	sadd.s32 @!p0 $0x4, s10;
	_ =	swait.ge @!p1 [sflag:s4], $0x80  }
0x4f: {  	p2 =	por !p3, p0;
	s10 =	smov.u32 s0;
	[sflag:s4] =	ssyncset.done @!p1 $0x0  }
0x50: {  	s10 =	smov.u32 @p2 s9;
	[sflag:s4] =	ssyncadd.s32 @!p1 $0xFFFFFF80  }
0x51: {  	s14 =	simm.s32 @!p1 $0x8600;
	s9 =	sshll.u32 @!p0 s10, $0x4;
	_ =	swait.ge @!p1 [sflag:s4], $0x80  }
0x52: {  	s12 =	simm.s32 @!p1 $0x100;
	s10 =	sand.u32 @!p0 $0x1FFFFFF0, s9;
	[sflag:s4] =	ssyncset.done @!p1 $0x0  }
0x53: {  	s13 =	simm.s32 @!p1 $0x80;
	s10 =	sadd.s32 @!p0 s1, s10;
	[sflag:s4] =	ssyncadd.s32 @!p1 $0xFFFFFF80  }
0x54: {  	[tilespmem:s14], [sflag:$0x9] =	stream.indirect.gather @!p1 [hbm4b:s22+s13], $0x80, s12, s13, $0xb8;
	[tilespmem:$0x1FE80] =	vst v63  }
0x55: {  	s4 =	simm.s32 @!p0 $0x200;
	p1 =	sle.u32 s8, $0x1;
	s12 =	simm.s32 @!p0 $0x0  }
0x56: {  	[tilespmem:s4], [sflag:$0x5] =	stream.linear.gather @!p0 [hbm4b:s10+s12], $0x80, $0x38;
	[tilespmem:$0x1FE80] =	vst v63  }
0x57: {  	s4 =	sadd.s32 @!p0 s9, s26;
	s9 =	simm.s32 @!p0 $0x500;
	s10 =	simm.s32 @!p1 $0x8  }
0x58: {  	[tilespmem:s9], [sflag:$0x5] =	stream.linear.gather @!p0 [hbm4b:s4+s12], $0x80, $0x38;
	[tilespmem:$0x1FE80] =	vst v63  }
0x59: {  	p2 =	sle.u32 s16, $0x1;
	_ =	swait.ge @!p1 [sflag:s10], $0x4000  }
0x5a: {  	s4 =	simm.s32 @!p1 $0x380;
	s9 =	simm.s32 @!p1 $0x4600;
	[sflag:s10] =	ssyncset.done @!p1 $0x0  }
0x5b: {  	s12 =	simm.s32 @!p2 $0xA;
	[sflag:s10] =	ssyncadd.s32 @!p1 $0xFFFFC000;
	s10 =	simm.s32 @!p1 $0x80  }
0x5c: {  	[spmem:s2] =	stream.indirect.scatter.add.f32 @!p1 [tilespmem:s9], [sflag:$0xB], $0x80, s4, s10, $0xb8;
	[tilespmem:$0x1FE80] =	vst v63  }
0x5d: {  	_ =	swait.ge @!p2 [sflag:s12], $0x4000  }
0x5e: {  	p0 =	sle.u32 s21, $0x1;
	p1 =	sle.u32 s19, $0x1;
	[sflag:s12] =	ssyncset.done @!p2 $0x0  }
0x5f: {  	p3 =	por @!p0 $0x0, $0x0;
	s9 =	simm.s32 @!p1 $0x4;
	[sflag:s12] =	ssyncadd.s32 @!p2 $0xFFFFC000  }
0x60: {  	s4 =	sadd.s32 @!p0 $0x0, s11;
	s10 =	smov.u32 s0;
	_ =	swait.ge @!p1 [sflag:s9], $0x80  }
0x61: {  	s4 =	sadd.s32 @!p0 $0x5, s4;
	s13 =	simm.s32 @!p1 $0x180;
	[sflag:s9] =	ssyncset.done @!p1 $0x0  }
0x62: {  	s14 =	simm.s32 @!p1 $0x600;
	p2 =	por !p3, p0;
	[sflag:s9] =	ssyncadd.s32 @!p1 $0xFFFFFF80  }
0x63: {  	s12 =	simm.s32 @!p0 $0x280;
	s10 =	smov.u32 @p2 s4;
	_ =	swait.ge @!p1 [sflag:s9], $0x80  }
0x64: {  	p2 =	sle.u32 s19, $0x2;
	s4 =	sshll.u32 @!p0 s10, $0x4;
	[sflag:s9] =	ssyncset.done @!p1 $0x0  }
0x65: {  	s10 =	sand.u32 @!p0 $0x1FFFFFF0, s4;
	[sflag:s9] =	ssyncadd.s32 @!p1 $0xFFFFFF80;
	s9 =	simm.s32 @!p1 $0x80  }
0x66: {  	[tilespmem:s14], [sflag:$0x7] =	stream.indirect.gather @!p1 [hbm4b:s22+s9], $0x80, s13, s9, $0xb8;
	[tilespmem:$0x1FE80] =	vst v63  }
0x67: {  	p1 =	sle.u32 s8, $0x2;
	s9 =	sadd.s32 @!p0 s1, s10;
	s10 =	simm.s32 @!p0 $0x0  }
0x68: {  	[tilespmem:s12], [sflag:$0x6] =	stream.linear.gather @!p0 [hbm4b:s9+s10], $0x80, $0x38;
	[tilespmem:$0x1FE80] =	vst v63  }
0x69: {  	s4 =	sadd.s32 @!p0 s4, s26;
	s9 =	simm.s32 @!p0 $0x580;
	s12 =	simm.s32 @!p1 $0x9  }
0x6a: {  	[tilespmem:s9], [sflag:$0x6] =	stream.linear.gather @!p0 [hbm4b:s4+s10], $0x80, $0x38;
	[tilespmem:$0x1FE80] =	vst v63  }
0x6b: {  	p3 =	sle.u32 s16, $0x2;
	s15 =	simm.s32 @!p2 $0x4600;
	_ =	swait.ge @!p1 [sflag:s12], $0x4000  }
0x6c: {  	s13 =	simm.s32 @!p3 $0xB;
	s4 =	simm.s32 @!p1 $0x8600;
	[sflag:s12] =	ssyncset.done @!p1 $0x0  }
0x6d: {  	s9 =	simm.s32 @!p1 $0x80;
	s10 =	simm.s32 @!p1 $0x400;
	[sflag:s12] =	ssyncadd.s32 @!p1 $0xFFFFC000  }
0x6e: {  	[spmem:s2] =	stream.indirect.scatter.add.f32 @!p1 [tilespmem:s4], [sflag:$0xC], $0x80, s10, s9, $0xb8;
	[tilespmem:$0x1FE80] =	vst v63  }
0x6f: {  	s17 =	simm.s32 @!p2 $0x80;
	p0 =	sle.u32 s21, $0x2;
	_ =	swait.ge @!p3 [sflag:s13], $0x4000  }
0x70: {  	s18 =	simm.s32 @!p2 $0x200;
	s12 =	simm.s32 @!p0 $0x0;
	[sflag:s13] =	ssyncset.done @!p3 $0x0  }
0x71: {  	p1 =	por @!p0 $0x1, $0x1;
	s9 =	simm.s32 @!p2 $0x5;
	[sflag:s13] =	ssyncadd.s32 @!p3 $0xFFFFC000  }
0x72: {  	s4 =	sadd.s32 @!p0 $0x0, s11;
	s10 =	simm.s32 $0x6;
	_ =	swait.ge @!p2 [sflag:s9], $0x80  }
0x73: {  	s4 =	sadd.s32 @!p0 $0x6, s4;
	p1 =	por !p1, p0;
	[sflag:s9] =	ssyncset.done @!p2 $0x0  }
0x74: {  	s4 =	smov.u32 @p1 s0;
	p1 =	sle.u32 s8, $0x3;
	[sflag:s9] =	ssyncadd.s32 @!p2 $0xFFFFFF80  }
0x75: {  	s4 =	sshll.u32 @!p0 s4, $0x4;
	s13 =	simm.s32 @!p0 $0x300;
	_ =	swait.ge @!p2 [sflag:s9], $0x80  }
0x76: {  	p3 =	sle.u32 s21, $0x3;
	s14 =	sand.u32 @!p0 $0x1FFFFFF0, s4;
	[sflag:s9] =	ssyncset.done @!p2 $0x0  }
0x77: {  	s4 =	sadd.s32 @!p0 s4, s26;
	s30 =	simm.s32 @!p3 $0x80;
	[sflag:s9] =	ssyncadd.s32 @!p2 $0xFFFFFF80  }
0x78: {  	[tilespmem:s15], [sflag:$0x8] =	stream.indirect.gather @!p2 [hbm4b:s22+s17], $0x80, s18, s17, $0xb8;
	[tilespmem:$0x1FE80] =	vst v63  }
0x79: {  	s14 =	sadd.s32 @!p0 s1, s14;
	s9 =	simm.s32 @!p1 $0x7;
	p2 =	sle.u32 s16, $0x3  }
0x7a: {  	[tilespmem:s12], [sflag:$0x1] =	stream.linear.gather @!p0 [hbm4b:s14+s12], $0x80, $0x38;
	[tilespmem:$0x1FE80] =	vst v63  }
0x7b: {  	s17 =	simm.s32 @!p1 $0x80;
	s15 =	simm.s32 @!p2 $0xC;
	s14 =	simm.s32 @!p3 $0x380  }
0x7c: {  	[tilespmem:s13], [sflag:$0x1] =	stream.linear.gather @!p0 [hbm4b:s4+s12], $0x80, $0x38;
	[tilespmem:$0x1FE80] =	vst v63  }
0x7d: {  	p0 =	por @!p3 $0x1, $0x1;
	s4 =	sadd.s32 @!p3 $0x0, s11;
	s12 =	simm.s32 @!p1 $0x480  }
0x7e: {  	_ =	swait.ge @!p1 [sflag:s9], $0x4000;
	s4 =	sadd.s32 @!p3 $0x7, s4;
	p0 =	por !p0, p3  }
0x7f: {  	s13 =	simm.s32 @!p1 $0x600;
	[sflag:s9] =	ssyncset.done @!p1 $0x0;
	s4 =	smov.u32 @p0 s0  }
0x80: {  	p0 =	sle.u32 s19, $0x3;
	[sflag:s9] =	ssyncadd.s32 @!p1 $0xFFFFC000;
	s4 =	sshll.u32 @!p3 s4, $0x4  }
0x81: {  	[spmem:s2] =	stream.indirect.scatter.add.f32 @!p1 [tilespmem:s13], [sflag:$0xA], $0x80, s12, s17, $0xb8;
	[tilespmem:$0x1FE80] =	vst v63  }
0x82: {  	s18 =	simm.s32 @!p0 $0x8600;
	p1 =	sle.u32 s21, $0x4;
	_ =	swait.ge @!p2 [sflag:s15], $0x4000  }
0x83: {  	s17 =	simm.s32 $0x4;
	s13 =	simm.s32 @!p0 $0x6;
	[sflag:s15] =	ssyncset.done @!p2 $0x0  }
0x84: {  	s25 =	sadd.s32 @!p3 s4, s26;
	s9 =	sadd.s32 @!p1 $0x0, s11;
	[sflag:s15] =	ssyncadd.s32 @!p2 $0xFFFFC000  }
0x85: {  	p4 =	por @!p1 $0x1, $0x1;
	s12 =	sadd.s32 @!p1 $0x8, s9;
	_ =	swait.ge @!p0 [sflag:s13], $0x80  }
0x86: {  	s9 =	sand.u32 @!p3 $0x1FFFFFF0, s4;
	s4 =	simm.s32 @!p3 $0x0;
	[sflag:s13] =	ssyncset.done @!p0 $0x0  }
0x87: {  	p2 =	por !p4, p1;
	p4 =	sle.u32 s8, $0x4;
	[sflag:s13] =	ssyncadd.s32 @!p0 $0xFFFFFF80  }
0x88: {  	s9 =	sadd.s32 @!p3 s1, s9;
	s15 =	simm.s32 @!p0 $0x280;
	_ =	swait.ge @!p0 [sflag:s13], $0x80  }
0x89: {  	s12 =	smov.u32 @p2 s0;
	s24 =	simm.s32 @!p4 $0x8;
	[sflag:s13] =	ssyncset.done @!p0 $0x0  }
0x8a: {  	s12 =	sshll.u32 @!p1 s12, $0x4;
	[sflag:s13] =	ssyncadd.s32 @!p0 $0xFFFFFF80;
	s13 =	simm.s32 @!p0 $0x80  }
0x8b: {  	[tilespmem:s18], [sflag:$0x9] =	stream.indirect.gather @!p0 [hbm4b:s22+s13], $0x80, s15, s13, $0xb8;
	[tilespmem:$0x1FE80] =	vst v63  }
0x8c: {  	p0 =	sle.u32 s19, $0x4;
	s13 =	sand.u32 @!p1 $0x1FFFFFF0, s12;
	s15 =	sadd.s32 @!p1 s12, s26  }
0x8d: {  	s12 =	simm.s32 $0x0;
	s20 =	sadd.s32 @!p1 s1, s13;
	s13 =	simm.s32 $0x0  }
.LBB2_2:
0x8e: {  	[tilespmem:s30], [sflag:$0x2] =	stream.linear.gather @!p3 [hbm4b:s9+s4], $0x80, $0x38;
	[tilespmem:$0x1FE80] =	vst v63  }
0x8f: {  	p2 =	sge.u32 s17, s16  }
0x90: {  	[tilespmem:s14], [sflag:$0x2] =	stream.linear.gather @!p3 [hbm4b:s25+s4], $0x80, $0x38;
	[tilespmem:$0x1FE80] =	vst v63  }
0x91: {  	s18 =	smov.u32 s10;
	s10 =	sadd.s32 $0x6, s10;
	_ =	swait.ge @!p4 [sflag:s24], $0x4000  }
0x92: {  	s9 =	simm.s32 @!p4 $0x4600;
	s17 =	simm.s32 @!p4 $0x80;
	[sflag:s24] =	ssyncset.done @!p4 $0x0  }
0x93: {  	s4 =	simm.s32 @!p4 $0x500;
	p3 =	sne.s32 s10, $0xA2;
	[sflag:s24] =	ssyncadd.s32 @!p4 $0xFFFFC000  }
0x94: {  	[spmem:s2] =	stream.indirect.scatter.add.f32 @!p4 [tilespmem:s9], [sflag:$0xB], $0x80, s4, s17, $0xb8;
	[tilespmem:$0x1FE80] =	vst v63  }
0x95: {  	s5 =	simm.s32 @!p3 $0x0;
	p4 =	seq.s32 s18, $0x0  }
0x96: {  	s5 =	simm.s32 @p3 $0x1;
	s4 =	simm.s32 @!p4 $0x0  }
0x97: {  	[smem:$0x7FC] =	sst s5;
	s4 =	simm.s32 @p4 $0x1  }
0x98: {  	s14 =	simm.s32 @!p2 $0xA;
	[smem:$0x7FA] =	sst s4  }
0x99: {  	_ =	swait.ge @!p2 [sflag:s14], $0x4000  }
0x9a: {  	[sflag:s14] =	ssyncset.done @!p2 $0x0  }
0x9b: {  	s7 =	sadd.s32 $0x5, s13;
	s25 =	simm.s32 @!p0 $0x1;
	[sflag:s14] =	ssyncadd.s32 @!p2 $0xFFFFC000  }
0x9c: {  	s30 =	simm.s32 @!p0 $0x80;
	s28 =	simm.s32 @!p1 $0x0;
	_ =	swait.ge @!p0 [sflag:s25], $0x80  }
0x9d: {  	s23 =	smov.u32 s0;
	s9 =	simm.s32 @!p0 $0x0;
	[sflag:s25] =	ssyncset.done @!p0 $0x0  }
0x9e: {  	s17 =	simm.s32 @!p4 $0xC;
	p4 =	sge.u32 s18, s21;
	[sflag:s25] =	ssyncadd.s32 @!p0 $0xFFFFFF80  }
0x9f: {  	p5 =	seq.s32 @!p4 s18, $0x9C;
	s29 =	sadd.s32 @!p4 s18, s11;
	_ =	swait.ge @!p0 [sflag:s25], $0x80  }
0xa0: {  	s29 =	sadd.s32 @!p4 $0x4, s29;
	p5 =	por !p5, p4;
	[sflag:s25] =	ssyncset.done @!p0 $0x0  }
0xa1: {  	s4 =	simm.s32 @!p0 $0x600;
	s23 =	smov.u32 @p5 s29;
	[sflag:s25] =	ssyncadd.s32 @!p0 $0xFFFFFF80  }
0xa2: {  	[tilespmem:s4], [sflag:$0x7] =	stream.indirect.gather @!p0 [hbm4b:s22+s30], $0x80, s9, s30, $0xb8;
	[tilespmem:$0x1FE80] =	vst v63  }
0xa3: {  	p2 =	sge.u32 s7, s8;
	s4 =	sshll.u32 @!p4 s23, $0x4;
	s9 =	simm.s32 @!p1 $0x100  }
0xa4: {  	[tilespmem:s9], [sflag:$0x3] =	stream.linear.gather @!p1 [hbm4b:s20+s28], $0x80, $0x38;
	[tilespmem:$0x1FE80] =	vst v63  }
0xa5: {  	s23 =	simm.s32 @!p2 $0x9;
	p0 =	sge.u32 s7, s16;
	s20 =	simm.s32 @!p1 $0x400  }
0xa6: {  	[tilespmem:s20], [sflag:$0x3] =	stream.linear.gather @!p1 [hbm4b:s15+s28], $0x80, $0x38;
	[tilespmem:$0x1FE80] =	vst v63  }
0xa7: {  	s25 =	simm.s32 @!p0 $0xB;
	s9 =	sand.u32 @!p4 $0x1FFFFFF0, s4;
	_ =	swait.ge @!p2 [sflag:s23], $0x4000  }
0xa8: {  	s15 =	sadd.s32 @!p4 s1, s9;
	s9 =	simm.s32 @!p2 $0x80;
	[sflag:s23] =	ssyncset.done @!p2 $0x0  }
0xa9: {  	s20 =	simm.s32 @!p2 $0x580;
	[sflag:s23] =	ssyncadd.s32 @!p2 $0xFFFFC000;
	s23 =	simm.s32 @!p2 $0x8600  }
0xaa: {  	[spmem:s2] =	stream.indirect.scatter.add.f32 @!p2 [tilespmem:s23], [sflag:$0xC], $0x80, s20, s9, $0xb8;
	[tilespmem:$0x1FE80] =	vst v63  }
0xab: {  	_ =	swait.ge @!p0 [sflag:s25], $0x4000  }
0xac: {  	p1 =	sge.u32 s7, s19;
	[sflag:s25] =	ssyncset.done @!p0 $0x0  }
0xad: {  	s20 =	sadd.s32 @!p4 s4, s26;
	s4 =	simm.s32 @!p1 $0x2;
	[sflag:s25] =	ssyncadd.s32 @!p0 $0xFFFFC000  }
0xae: {  	_ =	swait.ge @!p1 [sflag:s4], $0x80  }
0xaf: {  	p6 =	sge.u32 s18, s8;
	p0 =	sge.u32 s7, s21;
	[sflag:s4] =	ssyncset.done @!p1 $0x0  }
0xb0: {  	p2 =	slt.u32 @!p0 s12, $0x19;
	s13 =	sadd.s32 @!p0 s13, s11;
	[sflag:s4] =	ssyncadd.s32 @!p1 $0xFFFFFF80  }
0xb1: {  	s24 =	sadd.s32 @!p0 $0x9, s13;
	p2 =	por !p2, p0;
	_ =	swait.ge @!p1 [sflag:s4], $0x80  }
0xb2: {  	s28 =	simm.s32 @!p1 $0x4600;
	s24 =	smov.u32 @p2 s0;
	[sflag:s4] =	ssyncset.done @!p1 $0x0  }
0xb3: {  	s25 =	simm.s32 @!p1 $0x80;
	[sflag:s4] =	ssyncadd.s32 @!p1 $0xFFFFFF80;
	s4 =	sshll.u32 @!p0 s24, $0x4  }
0xb4: {  	[tilespmem:s28], [sflag:$0x8] =	stream.indirect.gather @!p1 [hbm4b:s22+s25], $0x80, s25, s25, $0xb8;
	[tilespmem:$0x1FE80] =	vst v63  }
0xb5: {  	p3 =	sge.u32 s18, s19;
	s13 =	smov.u32 s18;
	s25 =	sand.u32 @!p0 $0x1FFFFFF0, s4  }
0xb6: {  	s18 =	simm.s32 @!p0 $0x0;
	s24 =	simm.s32 @!p0 $0x180;
	s25 =	sadd.s32 @!p0 s1, s25  }
0xb7: {  	[tilespmem:s24], [sflag:$0x4] =	stream.linear.gather @!p0 [hbm4b:s25+s18], $0x80, $0x38;
	[tilespmem:$0x1FE80] =	vst v63  }
0xb8: {  	s4 =	sadd.s32 @!p0 s4, s26;
	s28 =	simm.s32 @!p0 $0x480;
	s24 =	simm.s32 @!p6 $0x7  }
0xb9: {  	[tilespmem:s28], [sflag:$0x4] =	stream.linear.gather @!p0 [hbm4b:s4+s18], $0x80, $0x38;
	[tilespmem:$0x1FE80] =	vst v63  }
0xba: {  	_ =	swait.ge @!p6 [sflag:s24], $0x4000  }
0xbb: {  	s9 =	simm.s32 @!p6 $0x300;
	[sflag:s24] =	ssyncset.done @!p6 $0x0;
	s5 =	sld [smem:$0x7FA]  }
0xbc: {  	s23 =	simm.s32 @!p6 $0x600;
	s25 =	simm.s32 @!p6 $0x80;
	[sflag:s24] =	ssyncadd.s32 @!p6 $0xFFFFC000  }
0xbd: {  	[spmem:s2] =	stream.indirect.scatter.add.f32 @!p6 [tilespmem:s23], [sflag:$0xA], $0x80, s9, s25, $0xb8;
	[tilespmem:$0x1FE80] =	vst v63  }
0xbe: {  	p1 =	seq.s32 s5, $0x1  }
0xbf: {  	_ =	swait.ge @!p1 [sflag:s17], $0x4000  }
0xc0: {  	[sflag:s17] =	ssyncset.done @!p1 $0x0  }
0xc1: {  	s14 =	simm.s32 @!p3 $0x3;
	[sflag:s17] =	ssyncadd.s32 @!p1 $0xFFFFC000  }
0xc2: {  	_ =	swait.ge @!p3 [sflag:s14], $0x80  }
0xc3: {  	[sflag:s14] =	ssyncset.done @!p3 $0x0  }
0xc4: {  	s29 =	sadd.s32 $0x1, s13;
	[sflag:s14] =	ssyncadd.s32 @!p3 $0xFFFFFF80  }
0xc5: {  	s7 =	sadd.s32 $0x2, s13;
	p2 =	sge.u32 s29, s21;
	_ =	swait.ge @!p3 [sflag:s14], $0x80  }
0xc6: {  	p5 =	sge.u32 s29, s16;
	s9 =	simm.s32 @!p3 $0x100;
	[sflag:s14] =	ssyncset.done @!p3 $0x0  }
0xc7: {  	s23 =	simm.s32 @!p3 $0x80;
	s25 =	simm.s32 @!p3 $0x8600;
	[sflag:s14] =	ssyncadd.s32 @!p3 $0xFFFFFF80  }
0xc8: {  	[tilespmem:s25], [sflag:$0x9] =	stream.indirect.gather @!p3 [hbm4b:s22+s23], $0x80, s9, s23, $0xb8;
	[tilespmem:$0x1FE80] =	vst v63  }
0xc9: {  	p0 =	sge.u32 s29, s8;
	s18 =	simm.s32 @!p4 $0x200;
	s14 =	simm.s32 @!p4 $0x0  }
0xca: {  	[tilespmem:s18], [sflag:$0x5] =	stream.linear.gather @!p4 [hbm4b:s15+s14], $0x80, $0x38;
	[tilespmem:$0x1FE80] =	vst v63  }
0xcb: {  	s4 =	simm.s32 @!p4 $0x500;
	s28 =	smov.u32 s0;
	s15 =	simm.s32 @!p0 $0x8  }
0xcc: {  	[tilespmem:s4], [sflag:$0x5] =	stream.linear.gather @!p4 [hbm4b:s20+s14], $0x80, $0x38;
	[tilespmem:$0x1FE80] =	vst v63  }
0xcd: {  	s24 =	sadd.s32 @!p2 s13, s11;
	p1 =	seq.s32 @!p2 s13, $0x9C;
	_ =	swait.ge @!p0 [sflag:s15], $0x4000  }
0xce: {  	s9 =	simm.s32 @!p0 $0x380;
	s23 =	simm.s32 @!p0 $0x4600;
	[sflag:s15] =	ssyncset.done @!p0 $0x0  }
0xcf: {  	s18 =	simm.s32 @!p5 $0xA;
	[sflag:s15] =	ssyncadd.s32 @!p0 $0xFFFFC000;
	s15 =	simm.s32 @!p0 $0x80  }
0xd0: {  	[spmem:s2] =	stream.indirect.scatter.add.f32 @!p0 [tilespmem:s23], [sflag:$0xB], $0x80, s9, s15, $0xb8;
	[tilespmem:$0x1FE80] =	vst v63  }
0xd1: {  	s24 =	sadd.s32 @!p2 $0x5, s24;
	p1 =	por !p1, p2;
	_ =	swait.ge @!p5 [sflag:s18], $0x4000  }
0xd2: {  	s28 =	smov.u32 @p1 s24;
	p1 =	sge.u32 s29, s19;
	[sflag:s18] =	ssyncset.done @!p5 $0x0  }
0xd3: {  	p6 =	sge.u32 s7, s16;
	s14 =	simm.s32 @!p1 $0x4;
	[sflag:s18] =	ssyncadd.s32 @!p5 $0xFFFFC000  }
0xd4: {  	s29 =	simm.s32 @!p2 $0x580;
	s24 =	sshll.u32 @!p2 s28, $0x4;
	_ =	swait.ge @!p1 [sflag:s14], $0x80  }
0xd5: {  	s28 =	simm.s32 @!p1 $0x600;
	s25 =	sand.u32 @!p2 $0x1FFFFFF0, s24;
	[sflag:s14] =	ssyncset.done @!p1 $0x0  }
0xd6: {  	p3 =	sge.u32 s7, s8;
	s4 =	simm.s32 @!p2 $0x280;
	[sflag:s14] =	ssyncadd.s32 @!p1 $0xFFFFFF80  }
0xd7: {  	s20 =	simm.s32 @!p1 $0x180;
	s15 =	sadd.s32 $0x3, s13;
	_ =	swait.ge @!p1 [sflag:s14], $0x80  }
0xd8: {  	p0 =	sge.u32 s7, s21;
	s18 =	sadd.s32 @!p2 s24, s26;
	[sflag:s14] =	ssyncset.done @!p1 $0x0  }
0xd9: {  	s24 =	sadd.s32 @!p0 s13, s11;
	[sflag:s14] =	ssyncadd.s32 @!p1 $0xFFFFFF80;
	s14 =	simm.s32 @!p1 $0x80  }
0xda: {  	[tilespmem:s28], [sflag:$0x7] =	stream.indirect.gather @!p1 [hbm4b:s22+s14], $0x80, s20, s14, $0xb8;
	[tilespmem:$0x1FE80] =	vst v63  }
0xdb: {  	s23 =	sadd.s32 @!p2 s1, s25;
	s17 =	sadd.s32 @!p0 $0x6, s24;
	s24 =	simm.s32 @!p2 $0x0  }
0xdc: {  	[tilespmem:s4], [sflag:$0x6] =	stream.linear.gather @!p2 [hbm4b:s23+s24], $0x80, $0x38;
	[tilespmem:$0x1FE80] =	vst v63  }
0xdd: {  	s9 =	simm.s32 @!p3 $0x8600;
	s14 =	simm.s32 @!p3 $0x9;
	p1 =	sge.u32 s15, s16  }
0xde: {  	[tilespmem:s29], [sflag:$0x6] =	stream.linear.gather @!p2 [hbm4b:s18+s24], $0x80, $0x38;
	[tilespmem:$0x1FE80] =	vst v63  }
0xdf: {  	s25 =	simm.s32 @!p3 $0x80;
	s5 =	simm.s32 @!p1 $0x0;
	_ =	swait.ge @!p3 [sflag:s14], $0x4000  }
0xe0: {  	s28 =	simm.s32 @!p3 $0x400;
	s5 =	simm.s32 @p1 $0x1;
	[sflag:s14] =	ssyncset.done @!p3 $0x0  }
0xe1: {  	s4 =	simm.s32 @!p6 $0xB;
	[smem:$0x7FB] =	sst s5;
	[sflag:s14] =	ssyncadd.s32 @!p3 $0xFFFFC000  }
0xe2: {  	[spmem:s2] =	stream.indirect.scatter.add.f32 @!p3 [tilespmem:s9], [sflag:$0xC], $0x80, s28, s25, $0xb8;
	[tilespmem:$0x1FE80] =	vst v63  }
0xe3: {  	_ =	swait.ge @!p6 [sflag:s4], $0x4000  }
0xe4: {  	s12 =	sadd.s32 $0x1, s12;
	p4 =	sge.u32 s7, s19;
	[sflag:s4] =	ssyncset.done @!p6 $0x0  }
0xe5: {  	p5 =	slt.u32 @!p0 s12, $0x19;
	s9 =	simm.s32 @!p4 $0x5;
	[sflag:s4] =	ssyncadd.s32 @!p6 $0xFFFFC000  }
0xe6: {  	p5 =	por !p5, p0;
	_ =	swait.ge @!p4 [sflag:s9], $0x80  }
0xe7: {  	s17 =	smov.u32 @p5 s0;
	[sflag:s9] =	ssyncset.done @!p4 $0x0  }
0xe8: {  	p5 =	sge.u32 s15, s8;
	s17 =	sshll.u32 @!p0 s17, $0x4;
	[sflag:s9] =	ssyncadd.s32 @!p4 $0xFFFFFF80  }
0xe9: {  	s7 =	simm.s32 @!p5 $0x600;
	s29 =	sadd.s32 @!p0 s17, s26;
	_ =	swait.ge @!p4 [sflag:s9], $0x80  }
0xea: {  	s14 =	sand.u32 @!p0 $0x1FFFFFF0, s17;
	s17 =	simm.s32 @!p4 $0x80;
	[sflag:s9] =	ssyncset.done @!p4 $0x0  }
0xeb: {  	s28 =	simm.s32 @!p4 $0x200;
	s4 =	simm.s32 @!p4 $0x4600;
	[sflag:s9] =	ssyncadd.s32 @!p4 $0xFFFFFF80  }
0xec: {  	[tilespmem:s4], [sflag:$0x8] =	stream.indirect.gather @!p4 [hbm4b:s22+s17], $0x80, s28, s17, $0xb8;
	[tilespmem:$0x1FE80] =	vst v63  }
0xed: {  	s20 =	simm.s32 @!p5 $0x7;
	s23 =	simm.s32 @!p0 $0x0;
	s25 =	sadd.s32 @!p0 s1, s14  }
0xee: {  	[tilespmem:s23], [sflag:$0x1] =	stream.linear.gather @!p0 [hbm4b:s25+s23], $0x80, $0x38;
	[tilespmem:$0x1FE80] =	vst v63  }
0xef: {  	s24 =	simm.s32 @!p0 $0x300;
	s18 =	simm.s32 @!p1 $0xC;
	p2 =	sge.u32 s15, s19  }
0xf0: {  	[tilespmem:s24], [sflag:$0x1] =	stream.linear.gather @!p0 [hbm4b:s29+s23], $0x80, $0x38;
	[tilespmem:$0x1FE80] =	vst v63  }
0xf1: {  	s5 =	simm.s32 @!p5 $0x480;
	p3 =	sge.u32 s15, s21;
	_ =	swait.ge @!p5 [sflag:s20], $0x4000  }
0xf2: {  	p1 =	slt.u32 @!p3 s12, $0x19;
	[sflag:s20] =	ssyncset.done @!p5 $0x0;
	s25 =	sld [smem:$0x7FB]  }
0xf3: {  	s30 =	sadd.s32 @!p3 s13, s11;
	s4 =	simm.s32 @!p5 $0x80;
	[sflag:s20] =	ssyncadd.s32 @!p5 $0xFFFFC000  }
0xf4: {  	[spmem:s2] =	stream.indirect.scatter.add.f32 @!p5 [tilespmem:s7], [sflag:$0xA], $0x80, s5, s4, $0xb8;
	[tilespmem:$0x1FE80] =	vst v63  }
0xf5: {  	p1 =	por !p1, p3;
	s9 =	sadd.s32 @!p3 $0x7, s30;
	p5 =	seq.s32 s25, $0x1  }
0xf6: {  	s9 =	smov.u32 @p1 s0;
	s17 =	sadd.s32 $0x4, s13;
	_ =	swait.ge @!p5 [sflag:s18], $0x4000  }
0xf7: {  	s28 =	simm.s32 @!p2 $0x6;
	p1 =	sge.u32 s17, s21;
	[sflag:s18] =	ssyncset.done @!p5 $0x0  }
0xf8: {  	s15 =	sadd.s32 @!p1 s13, s11;
	p0 =	slt.u32 @!p1 s12, $0x19;
	[sflag:s18] =	ssyncadd.s32 @!p5 $0xFFFFC000  }
0xf9: {  	s15 =	sadd.s32 @!p1 $0x8, s15;
	p0 =	por !p0, p1;
	_ =	swait.ge @!p2 [sflag:s28], $0x80  }
0xfa: {  	s15 =	smov.u32 @p0 s0;
	[sflag:s28] =	ssyncset.done @!p2 $0x0  }
0xfb: {  	s5 =	sshll.u32 @!p1 s15, $0x4;
	[sflag:s28] =	ssyncadd.s32 @!p2 $0xFFFFFF80  }
0xfc: {  	s23 =	simm.s32 @!p2 $0x80;
	s7 =	sand.u32 @!p1 $0x1FFFFFF0, s5;
	_ =	swait.ge @!p2 [sflag:s28], $0x80  }
0xfd: {  	s15 =	sadd.s32 @!p1 s5, s26;
	[sflag:s28] =	ssyncset.done @!p2 $0x0;
	s29 =	sld [smem:$0x7FC]  }
0xfe: {  	s5 =	simm.s32 @!p2 $0x280;
	s18 =	simm.s32 @!p2 $0x8600;
	[sflag:s28] =	ssyncadd.s32 @!p2 $0xFFFFFF80  }
0xff: {  	[tilespmem:s18], [sflag:$0x9] =	stream.indirect.gather @!p2 [hbm4b:s22+s23], $0x80, s5, s23, $0xb8;
	[tilespmem:$0x1FE80] =	vst v63  }
0x100: {  	p2 =	seq.s32 s29, $0x1  }
.Ltmp0:
0x101: {  	_ = 	snop;
	(pc) =	sbr.rel @p2 .LBB2_2-.Ltmp0, $4  }
0x102: {  	s14 =	simm.s32 @!p3 $0x380;
	p4 =	sge.u32 s17, s8  }
0x103: {  	s30 =	simm.s32 @!p3 $0x80;
	s9 =	sshll.u32 @!p3 s9, $0x4;
	s24 =	simm.s32 @!p4 $0x8  }
0x104: {  	p0 =	sge.u32 s17, s19;
	s4 =	sand.u32 @!p3 $0x1FFFFFF0, s9;
	s25 =	sadd.s32 @!p3 s9, s26  }
0x105: {  	s9 =	sadd.s32 @!p3 s1, s4;
	s4 =	simm.s32 @!p3 $0x0;
	s20 =	sadd.s32 @!p1 s1, s7  }
0x106: {  	[tilespmem:s30], [sflag:$0x2] =	stream.linear.gather @!p3 [hbm4b:s9+s4], $0x80, $0x38;
	[tilespmem:$0x1FE80] =	vst v63  }
0x107: {  	_ = 	snop  }
0x108: {  	[tilespmem:s14], [sflag:$0x2] =	stream.linear.gather @!p3 [hbm4b:s25+s4], $0x80, $0x38;
	[tilespmem:$0x1FE80] =	vst v63  }
0x109: {  	_ =	swait.ge @!p4 [sflag:s24], $0x4000  }
0x10a: {  	p2 =	sge.u32 s17, s16;
	s5 =	simm.s32 @!p4 $0x4600;
	[sflag:s24] =	ssyncset.done @!p4 $0x0  }
0x10b: {  	s7 =	simm.s32 @!p4 $0x80;
	s4 =	simm.s32 @!p4 $0x500;
	[sflag:s24] =	ssyncadd.s32 @!p4 $0xFFFFC000  }
0x10c: {  	[spmem:s2] =	stream.indirect.scatter.add.f32 @!p4 [tilespmem:s5], [sflag:$0xB], $0x80, s4, s7, $0xb8;
	[tilespmem:$0x1FE80] =	vst v63  }
0x10d: {  	s4 =	simm.s32 @!p2 $0xA  }
0x10e: {  	_ =	swait.ge @!p2 [sflag:s4], $0x4000  }
0x10f: {  	[sflag:s4] =	ssyncset.done @!p2 $0x0  }
0x110: {  	s5 =	simm.s32 @!p0 $0x1;
	[sflag:s4] =	ssyncadd.s32 @!p2 $0xFFFFC000  }
0x111: {  	_ =	swait.ge @!p0 [sflag:s5], $0x80  }
0x112: {  	[sflag:s5] =	ssyncset.done @!p0 $0x0  }
0x113: {  	[sflag:s5] =	ssyncadd.s32 @!p0 $0xFFFFFF80  }
0x114: {  	_ =	swait.ge @!p0 [sflag:s5], $0x80  }
0x115: {  	s7 =	simm.s32 @!p0 $0x0;
	[sflag:s5] =	ssyncset.done @!p0 $0x0  }
0x116: {  	s4 =	simm.s32 @!p0 $0x600;
	[sflag:s5] =	ssyncadd.s32 @!p0 $0xFFFFFF80;
	s5 =	simm.s32 @!p0 $0x80  }
0x117: {  	[tilespmem:s4], [sflag:$0x7] =	stream.indirect.gather @!p0 [hbm4b:s22+s5], $0x80, s7, s5, $0xb8;
	[tilespmem:$0x1FE80] =	vst v63  }
0x118: {  	s24 =	sadd.s32 $0x5, s13;
	s4 =	simm.s32 @!p1 $0x0;
	s5 =	simm.s32 @!p1 $0x100  }
0x119: {  	[tilespmem:s5], [sflag:$0x3] =	stream.linear.gather @!p1 [hbm4b:s20+s4], $0x80, $0x38;
	[tilespmem:$0x1FE80] =	vst v63  }
0x11a: {  	p0 =	sge.u32 s24, s8;
	s7 =	simm.s32 @!p1 $0x400  }
0x11b: {  	[tilespmem:s7], [sflag:$0x3] =	stream.linear.gather @!p1 [hbm4b:s15+s4], $0x80, $0x38;
	[tilespmem:$0x1FE80] =	vst v63  }
0x11c: {  	s4 =	simm.s32 @!p0 $0x9  }
0x11d: {  	_ =	swait.ge @!p0 [sflag:s4], $0x4000  }
0x11e: {  	s9 =	simm.s32 @!p0 $0x580;
	[sflag:s4] =	ssyncset.done @!p0 $0x0  }
0x11f: {  	s7 =	simm.s32 @!p0 $0x80;
	[sflag:s4] =	ssyncadd.s32 @!p0 $0xFFFFC000;
	s4 =	simm.s32 @!p0 $0x8600  }
0x120: {  	[spmem:s2] =	stream.indirect.scatter.add.f32 @!p0 [tilespmem:s4], [sflag:$0xC], $0x80, s9, s7, $0xb8;
	[tilespmem:$0x1FE80] =	vst v63  }
0x121: {  	p0 =	sge.u32 s24, s16  }
0x122: {  	s4 =	simm.s32 @!p0 $0xB  }
0x123: {  	_ =	swait.ge @!p0 [sflag:s4], $0x4000  }
0x124: {  	p1 =	sge.u32 s24, s19;
	[sflag:s4] =	ssyncset.done @!p0 $0x0  }
0x125: {  	[sflag:s4] =	ssyncadd.s32 @!p0 $0xFFFFC000;
	s4 =	simm.s32 @!p1 $0x2  }
0x126: {  	_ =	swait.ge @!p1 [sflag:s4], $0x80  }
0x127: {  	p0 =	sge.u32 s24, s21;
	[sflag:s4] =	ssyncset.done @!p1 $0x0  }
0x128: {  	s5 =	sadd.s32 @!p0 s13, s11;
	p2 =	slt.u32 @!p0 s12, $0x19;
	[sflag:s4] =	ssyncadd.s32 @!p1 $0xFFFFFF80  }
0x129: {  	s5 =	sadd.s32 @!p0 $0x9, s5;
	p2 =	por !p2, p0;
	_ =	swait.ge @!p1 [sflag:s4], $0x80  }
0x12a: {  	s7 =	simm.s32 @!p1 $0x80;
	s5 =	smov.u32 @p2 s0;
	[sflag:s4] =	ssyncset.done @!p1 $0x0  }
0x12b: {  	s9 =	simm.s32 @!p1 $0x4600;
	[sflag:s4] =	ssyncadd.s32 @!p1 $0xFFFFFF80;
	s4 =	sshll.u32 @!p0 s5, $0x4  }
0x12c: {  	[tilespmem:s9], [sflag:$0x8] =	stream.indirect.gather @!p1 [hbm4b:s22+s7], $0x80, s7, s7, $0xb8;
	[tilespmem:$0x1FE80] =	vst v63  }
0x12d: {  	s5 =	sand.u32 @!p0 $0x1FFFFFF0, s4  }
0x12e: {  	s7 =	simm.s32 @!p0 $0x0;
	s9 =	simm.s32 @!p0 $0x180;
	s5 =	sadd.s32 @!p0 s1, s5  }
0x12f: {  	[tilespmem:s9], [sflag:$0x4] =	stream.linear.gather @!p0 [hbm4b:s5+s7], $0x80, $0x38;
	[tilespmem:$0x1FE80] =	vst v63  }
0x130: {  	s4 =	sadd.s32 @!p0 s4, s26;
	s5 =	simm.s32 @!p0 $0x480  }
0x131: {  	[tilespmem:s5], [sflag:$0x4] =	stream.linear.gather @!p0 [hbm4b:s4+s7], $0x80, $0x38;
	[tilespmem:$0x1FE80] =	vst v63  }
0x132: {  	[bflag:$0x0] =	sbarrier.arrive $0xFFFF  }
0x133: {  	s25 =	rddreg [dreg:$0xf]  }
0x134: {  	s7 =	simm.s32 $0xD;
	s28 =	rddreg [dreg:$0x12]  }
0x135: {  	[hbm:s25], [sflag:s6] =	dma.local [spmem:s28], $0x2700  }
0x136: {  	_ =	swait.ge [sflag:s7], $0x2700  }
0x137: {  	s29 =	sld [smem:$0x7FD];
	_ =	sdelay $0x1  }
0x138: {  	[sflag:s7] =	ssyncset.done $0x0;
	s4 =	rddreg [dreg:$0x10]  }
0x139: {  	s5 =	rddreg [dreg:$0x13];
	[sflag:s7] =	ssyncadd.s32 $0xFFFFD900;
	p1 =	seq.s32 s29, $0x1  }
0x13a: {  	[hbm:s4], [sflag:s6] =	dma.local @!p1 [spmem:s5], $0x100  }
0x13b: {  	s4 =	simm.s32 @!p1 $0xD  }
0x13c: {  	_ =	swait.ge @!p1 [sflag:s4], $0x100  }
0x13d: {  	s31 =	sadd.s32 $0x1, s31;
	s30 =	rddreg [dreg:$0x11]  }
0x13e: {  	p0 =	sne.s32 s31, s30  }
.Ltmp1:
0x13f: {  	_ = 	snop;
	(pc) =	sbr.rel @p0 .LBB2_1-.Ltmp1, $3  }
0x140: {  	_ =	sdelay $0x1  }
0x141: {  	[sflag:s4] =	ssyncset.done @!p1 $0x0  }
0x142: {  	[sflag:s4] =	ssyncadd.s32 @!p1 $0xFFFFFF00  }
0x143: {  	_ =	sfence.sel $0x180000  }
0x144: {  	[bflag:$0x0] =	sbarrier.arrive $0xFFFF  }
0x145: {  	_ =	strace $0x90000047  }
0x146: {  	[bflag:$0x2] =	sbarrier.arrive $0xFFFF  }
0x147: {  	s0 =	rddreg [dreg:$0x3]  }
0x148: {  	s0 =	sadd.s32 @!p1 $0x100000, s0  }
0x149: {  	[sflag:s0] =	ssyncadd.tile.s32 @!p1 $0x1;
	_ =	shalt  }
.Lfunc_end2:
_tile_overlayer_lowered:
.L_overlay_start_2:
0x14a: {  	(tag) =	ssettag $0x2  }
0x14b: {  	s0 =	rddreg [dreg:$0x0];
	s2 =	stileid.u32  }
0x14c: {  	s1 =	rddreg [dreg:$0x1];
	p0 =	sne.s32 s2, $0x0  }
0x14d: {  	s3 =	rddreg [dreg:$0x2];
	[bflag:$0x3] =	sbarrier.arrive $0xFFFF;
	s2 =	simm.s32 @!p0 $0x1C0D  }
0x14e: {  	[timem:s3], [sflag:s2] =	dma.local @!p0 [hbm:s0], s1  }
0x14f: {  	s0 =	simm.s32 @!p0 $0xD  }
0x150: {  	_ =	swait.ge @!p0 [sflag:s0], s1  }
0x151: {  	s1 =	ssub.s32 @!p0 $0x0, s1;
	[sflag:s0] =	ssyncset.done @!p0 $0x0  }
0x152: {  	[sflag:s0] =	ssyncadd.s32 @!p0 s1  }
0x153: {  	[bflag:$0x3] =	sbarrier.arrive $0xFFFF  }
0x154: {  	_ =	shalt  }

</sc_bundles>
